<compile_context>
chip_gen: v7x
topology: tpu7x:2x2x1
jax: 0.10.2.dev20260603
libtpu: 0.0.44.dev20260713+nightly
codegen_flags: <defaults>
</compile_context>

<pallas_src>
import functools

import jax
import jax.numpy as jnp
from jax import lax
from jax.experimental import pallas as pl
from jax.experimental.pallas import tpu as pltpu
from jax.experimental.pallas import tpu_sc as plsc

K_SAMPLE = 256
KNN = 5
ROW_TILE = 512
CHUNK = 128
BIG = 1e10


def _entropy_body(x_ref, ent_ref):
    xf = x_ref[0]
    n = xf.shape[0]
    sq_f = jnp.sum(xf * xf, axis=1)[None, :][0]

    for r in range(n // ROW_TILE):
        xr = xf[r * ROW_TILE:(r + 1) * ROW_TILE]
        rows = ROW_TILE
        sq_r = jnp.sum(xr * xr, axis=1)
        mm = lax.dot_general(xr, xf, (((1,), (1,)), ((), ())),
                             preferred_element_type=jnp.float32)

        row_ids = r * ROW_TILE + lax.broadcasted_iota(
            jnp.int32, (rows, CHUNK), 0)
        lane_ids = lax.broadcasted_iota(jnp.int32, (rows, CHUNK), 1)
        big = jnp.full((rows, CHUNK), BIG, jnp.float32)
        m = [big for _ in range(KNN)]
        for c in range(n // CHUNK):
            mmc = mm[:, c * CHUNK:(c + 1) * CHUNK]
            sqc = sq_f[c * CHUNK:(c + 1) * CHUNK]
            v = jnp.maximum(sq_r[:, None] + sqc[None, :] - 2.0 * mmc, 0.0)
            if r * ROW_TILE <= c * CHUNK < (r + 1) * ROW_TILE:
                v = jnp.where(row_ids == c * CHUNK + lane_ids, BIG, v)
            if c == 0:
                m[0] = v
                continue
            for j in range(min(c + 1, KNN)):
                lo = jnp.minimum(m[j], v)
                v = jnp.maximum(m[j], v)
                m[j] = lo

        cid = lax.broadcasted_iota(jnp.int32, (rows, CHUNK), 1)
        acc = jnp.zeros((rows,), jnp.float32)
        for _ in range(KNN):
            mv = jnp.min(m[0], axis=1)
            acc = acc + jnp.sqrt(jnp.maximum(mv, 1e-12))
            is_min = m[0] == mv[:, None]
            first = jnp.min(jnp.where(is_min, cid, CHUNK), axis=1)
            hit = cid == first[:, None]
            for j in range(KNN - 1):
                m[j] = jnp.where(hit, m[j + 1], m[j])
            m[KNN - 1] = jnp.where(hit, BIG, m[KNN - 1])
        ent_ref[0, 0, r * ROW_TILE:(r + 1) * ROW_TILE] = acc / float(KNN)


def _entropy(x):
    b, n, d = x.shape
    out = pl.pallas_call(
        _entropy_body,
        grid=(b,),
        in_specs=[pl.BlockSpec((1, n, d), lambda i: (i, 0, 0))],
        out_specs=pl.BlockSpec((1, 1, n), lambda i: (i, 0, 0)),
        out_shape=jax.ShapeDtypeStruct((b, 1, n), jnp.float32),
    )(x)
    return out.reshape(b, n)


@functools.cache
def _make_gather(V, D, B):
    info = plsc.get_sparse_core_info()
    NC, NS = info.num_cores, info.num_subcores
    NW = NC * NS
    assert D % info.num_lanes == 0 and B % (8 * NW) == 0
    b_per_w = B // NW
    mesh = plsc.VectorSubcoreMesh(core_axis_name="c", subcore_axis_name="s")

    @functools.partial(
        pl.kernel, mesh=mesh,
        out_type=jax.ShapeDtypeStruct((B, D), jnp.float32),
        scratch_types=[
            pltpu.VMEM((b_per_w,), jnp.int32),
            pltpu.VMEM((b_per_w, D), jnp.float32),
            pltpu.SemaphoreType.DMA,
        ],
    )
    def gather(table_hbm, idx_hbm, out_hbm, idx_v, rows_v, sem):
        wid = lax.axis_index("s") * NC + lax.axis_index("c")
        base = wid * b_per_w
        pltpu.sync_copy(idx_hbm.at[pl.ds(base, b_per_w)], idx_v)
        off = (base // K_SAMPLE) * (V // (B // K_SAMPLE))
        for k in range(b_per_w // 16):
            sl = pl.ds(k * 16, 16)
            idx_v[sl] = idx_v[sl] + off
        pltpu.async_copy(table_hbm.at[idx_v], rows_v, sem).wait()
        pltpu.sync_copy(rows_v, out_hbm.at[pl.ds(base, b_per_w)])

    return gather


def kernel(x):
    b, n, d = x.shape
    ent = _entropy(x)
    base_key = jax.random.key(42)
    s = jnp.stack([jnp.sum(ent[i]) for i in range(b)])
    probs = ent / s[:, None]
    keys = jax.vmap(lambda i: jax.random.fold_in(base_key, i))(
        jnp.arange(b, dtype=jnp.uint32))
    gu = jax.vmap(lambda k: jax.random.gumbel(k, (n,), jnp.float32))(keys)
    g = gu + jnp.log(probs)
    idx = lax.top_k(g, K_SAMPLE)[1]
    idx_flat = idx.reshape(b * K_SAMPLE).astype(jnp.int32)
    table = x.reshape(b * n, d)
    out_flat = _make_gather(b * n, d, b * K_SAMPLE)(table, idx_flat)
    return (out_flat.reshape(b, K_SAMPLE, d), 0.0)

# --- scband reference (transcript-rebuilt; emitter-appended) ---
"""Pipeline reference for scband-entropy-sampler-10634339025304 (READ-ONLY COPY).

The authoritative reference and input builder live on the scoring server;
editing this copy changes nothing except your own understanding.
"""

import jax, jax.numpy as jnp
import numpy as np

K_SAMPLE = 256
KNN = 5

def _get_entropy(xi, knn=KNN):
    # kNN-based entropy proxy (Kozachenko-Leonenko style): mean distance to k nearest neighbors
    sq = jnp.sum(xi * xi, axis=1)
    d2 = sq[:, None] + sq[None, :] - 2.0 * (xi @ xi.T)
    d2 = jnp.maximum(d2, 0.0)
    n = xi.shape[0]
    d2 = d2 + jnp.eye(n, dtype=xi.dtype) * 1e10  # exclude self
    neg_vals, _ = jax.lax.top_k(-d2, knn)
    knn_dist = jnp.sqrt(jnp.maximum(-neg_vals, 1e-12))
    return jnp.mean(knn_dist, axis=1)

def setup_inputs(seed: int = 0):
    key = jax.random.key(seed)
    x = jax.random.normal(key, (4, 2048, 768), dtype=jnp.float32)
    return {"x": x}

def reference(x):
    batch_size, token_num, dim = x.shape
    base_key = jax.random.key(42)
    sampled_tokens = []
    for i in range(batch_size):
        entropy = _get_entropy(x[i], KNN)
        entropy = jax.lax.stop_gradient(entropy)  # multinomial weights are non-differentiable
        probs = entropy / jnp.sum(entropy)
        idx = jax.random.choice(jax.random.fold_in(base_key, i), token_num,
                                shape=(K_SAMPLE,), replace=False, p=probs)
        sampled_tokens.append(x[i][idx][None, ...])
    out = jnp.concatenate(sampled_tokens, axis=0)
    return (out, 0.0)

if __name__ == "__main__":
    import jax
    _d = setup_inputs()
    print(jax.jit(kernel)(*tuple(_d.values())))

</pallas_src>

<mosaic_0001>
#map = affine_map<(d0, d1) -> (0, 0)>
#map1 = affine_map<(d0, d1) -> (0)>
module attributes {stable_mosaic.version = 14 : i64} {
  func.func @gather(%arg0: i32, %arg1: i32, %arg2: memref<8192x768xf32, #tpu.memory_space<hbm>>, %arg3: memref<1024xi32, #tpu.memory_space<hbm>>, %arg4: memref<1024x768xf32, #tpu.memory_space<hbm>>, %arg5: memref<32xi32, #tpu.memory_space<vmem>>, %arg6: memref<32x768xf32, #tpu.memory_space<vmem>>, %arg7: memref<!tpu.dma_semaphore, #tpu.memory_space<semaphore_mem>>) attributes {dimension_semantics = [#tpu.dimension_semantics<core_parallel>, #tpu.dimension_semantics<subcore_parallel>], iteration_bounds = array<i64: 2, 16>, scalar_prefetch = 0 : i64, scratch_operands = 3 : i64, tpu.core_type = #tpu.core_type<sc_vector_subcore>, window_params = [{transform_indices = #map}, {transform_indices = #map1}, {transform_indices = #map}]} {
    %mul3A = arith.constant 2 : i32
    %mul3A_0 = arith.muli %arg1, %mul3A : i32
    %add3A = arith.addi %mul3A_0, %arg0 : i32
    %mul3A_1 = arith.constant 32 : i32
    %mul3A_2 = arith.muli %add3A, %mul3A_1 : i32
    "tpu.region"() ({
      %run_scoped3A = tpu.sem_alloc : memref<!tpu.dma_semaphore, #tpu.memory_space<semaphore_mem>>
      %dma_start3A_41 = tpu.memref_slice %arg3[%mul3A_2] : memref<1024xi32, #tpu.memory_space<hbm>> -> memref<32xi32, #tpu.memory_space<hbm>>
      %dma_start3A_42 = tpu.memref_slice %arg3[%mul3A_2] : memref<1024xi32, #tpu.memory_space<hbm>> -> memref<32xi32, #tpu.memory_space<hbm>>
      tpu.enqueue_dma source(%dma_start3A_42 : memref<32xi32, #tpu.memory_space<hbm>>) target(%arg5 : memref<32xi32, #tpu.memory_space<vmem>>) target_semaphore(%run_scoped3A : memref<!tpu.dma_semaphore, #tpu.memory_space<semaphore_mem>>)
      %dma_wait3A_43 = tpu.memref_slice %arg3[%mul3A_2] : memref<1024xi32, #tpu.memory_space<hbm>> -> memref<32xi32, #tpu.memory_space<hbm>>
      %dma_wait3A_44 = tpu.memref_slice %arg3[%mul3A_2] : memref<1024xi32, #tpu.memory_space<hbm>> -> memref<32xi32, #tpu.memory_space<hbm>>
      tpu.wait_dma2 semaphore(%run_scoped3A : memref<!tpu.dma_semaphore, #tpu.memory_space<semaphore_mem>>) src(%dma_wait3A_44 : memref<32xi32, #tpu.memory_space<hbm>>) dst(%arg5 : memref<32xi32, #tpu.memory_space<vmem>>)
      tpu.yield
    }) : () -> ()
    %jit3A = arith.constant 256 : i32
    %div3A = arith.divsi %mul3A_2, %jit3A : i32
    %sign3A = arith.constant 0 : i32
    %sign3A_3 = arith.cmpi sgt, %mul3A_2, %sign3A : i32
    %sign3A_4 = arith.extui %sign3A_3 : i1 to i32
    %sign3A_5 = arith.constant 0 : i32
    %sign3A_6 = arith.cmpi slt, %mul3A_2, %sign3A_5 : i32
    %sign3A_7 = arith.extui %sign3A_6 : i1 to i32
    %sign3A_8 = arith.subi %sign3A_4, %sign3A_7 : i32
    %sign3A_9 = arith.constant 0 : i32
    %sign3A_10 = arith.cmpi sgt, %jit3A, %sign3A_9 : i32
    %sign3A_11 = arith.extui %sign3A_10 : i1 to i32
    %sign3A_12 = arith.constant 0 : i32
    %sign3A_13 = arith.cmpi slt, %jit3A, %sign3A_12 : i32
    %sign3A_14 = arith.extui %sign3A_13 : i1 to i32
    %sign3A_15 = arith.subi %sign3A_11, %sign3A_14 : i32
    %ne3A = arith.cmpi ne, %sign3A_8, %sign3A_15 : i32
    %rem3A = arith.remsi %mul3A_2, %jit3A : i32
    %ne3A_16 = arith.constant 0 : i32
    %ne3A_17 = arith.cmpi ne, %rem3A, %ne3A_16 : i32
    %and3A = arith.andi %ne3A, %ne3A_17 : i1
    %sub3A = arith.constant 1 : i32
    %sub3A_18 = arith.subi %div3A, %sub3A : i32
    %select_n3A = arith.select %and3A, %sub3A_18, %div3A : i32
    %mul3A_19 = arith.constant 2048 : i32
    %mul3A_20 = arith.muli %select_n3A, %mul3A_19 : i32
    %get3A = arith.constant 0 : index
    %get3A_21 = tpu.vector_load %arg5[%get3A] {strides = array<i32>} : memref<32xi32, #tpu.memory_space<vmem>>, vector<16xi32>,
    %get3A_22 = vector.shape_cast %get3A_21 : vector<16xi32> to vector<16xi32>
    %add3A_23 = vector.broadcast %mul3A_20 : i32 to vector<16xi32>
    %add3A_24 = arith.addi %get3A_22, %add3A_23 : vector<16xi32>
    %swap3A = arith.constant 0 : index
    %swap3A_25 = tpu.vector_load %arg5[%swap3A] {strides = array<i32>} : memref<32xi32, #tpu.memory_space<vmem>>, vector<16xi32>,
    %swap3A_26 = vector.shape_cast %swap3A_25 : vector<16xi32> to vector<16xi32>
    %swap3A_27 = vector.shape_cast %add3A_24 : vector<16xi32> to vector<16xi32>
    tpu.vector_store %arg5[%swap3A], %swap3A_27 {strides = array<i32>} : memref<32xi32, #tpu.memory_space<vmem>>, vector<16xi32>,
    %get3A_28 = arith.constant 16 : index
    %get3A_29 = tpu.vector_load %arg5[%get3A_28] {strides = array<i32>} : memref<32xi32, #tpu.memory_space<vmem>>, vector<16xi32>,
    %get3A_30 = vector.shape_cast %get3A_29 : vector<16xi32> to vector<16xi32>
    %add3A_31 = vector.broadcast %mul3A_20 : i32 to vector<16xi32>
    %add3A_32 = arith.addi %get3A_30, %add3A_31 : vector<16xi32>
    %swap3A_33 = arith.constant 16 : index
    %swap3A_34 = tpu.vector_load %arg5[%swap3A_33] {strides = array<i32>} : memref<32xi32, #tpu.memory_space<vmem>>, vector<16xi32>,
    %swap3A_35 = vector.shape_cast %swap3A_34 : vector<16xi32> to vector<16xi32>
    %swap3A_36 = vector.shape_cast %add3A_32 : vector<16xi32> to vector<16xi32>
    tpu.vector_store %arg5[%swap3A_33], %swap3A_36 {strides = array<i32>} : memref<32xi32, #tpu.memory_space<vmem>>, vector<16xi32>,
    %dma_start3A = arith.constant 0 : i32
    %dma_start3A_37 = arith.constant 0 : i32
    %dma_start3A_38 = tpu.memref_slice %arg2[%dma_start3A, %dma_start3A_37] : memref<8192x768xf32, #tpu.memory_space<hbm>> -> memref<8192x768xf32, #tpu.memory_space<hbm>>
    tpu.enqueue_indirect_dma source(%dma_start3A_38 : memref<8192x768xf32, #tpu.memory_space<hbm>>) target(%arg6 : memref<32x768xf32, #tpu.memory_space<vmem>>) offsets(%arg5 : memref<32xi32, #tpu.memory_space<vmem>>) semaphore(%arg7 : memref<!tpu.dma_semaphore, #tpu.memory_space<semaphore_mem>>)
    %dma_wait3A = arith.constant 0 : i32
    %dma_wait3A_39 = arith.constant 0 : i32
    %dma_wait3A_40 = tpu.memref_slice %arg2[%dma_wait3A, %dma_wait3A_39] : memref<8192x768xf32, #tpu.memory_space<hbm>> -> memref<8192x768xf32, #tpu.memory_space<hbm>>
    tpu.wait_indirect_dma semaphore(%arg7 : memref<!tpu.dma_semaphore, #tpu.memory_space<semaphore_mem>>) src(%dma_wait3A_40 : memref<8192x768xf32, #tpu.memory_space<hbm>>) dst(%arg6 : memref<32x768xf32, #tpu.memory_space<vmem>>)
    "tpu.region"() ({
      %run_scoped3A = tpu.sem_alloc : memref<!tpu.dma_semaphore, #tpu.memory_space<semaphore_mem>>
      %dma_start3A_41 = arith.constant 0 : i32
      %dma_start3A_42 = tpu.memref_slice %arg4[%mul3A_2, %dma_start3A_41] : memref<1024x768xf32, #tpu.memory_space<hbm>> -> memref<32x768xf32, #tpu.memory_space<hbm>>
      %dma_start3A_43 = arith.constant 0 : i32
      %dma_start3A_44 = tpu.memref_slice %arg4[%mul3A_2, %dma_start3A_43] : memref<1024x768xf32, #tpu.memory_space<hbm>> -> memref<32x768xf32, #tpu.memory_space<hbm>>
      tpu.enqueue_dma source(%arg6 : memref<32x768xf32, #tpu.memory_space<vmem>>) target(%dma_start3A_44 : memref<32x768xf32, #tpu.memory_space<hbm>>) target_semaphore(%run_scoped3A : memref<!tpu.dma_semaphore, #tpu.memory_space<semaphore_mem>>)
      %dma_wait3A_45 = arith.constant 0 : i32
      %dma_wait3A_46 = tpu.memref_slice %arg4[%mul3A_2, %dma_wait3A_45] : memref<1024x768xf32, #tpu.memory_space<hbm>> -> memref<32x768xf32, #tpu.memory_space<hbm>>
      %dma_wait3A_47 = arith.constant 0 : i32
      %dma_wait3A_48 = tpu.memref_slice %arg4[%mul3A_2, %dma_wait3A_47] : memref<1024x768xf32, #tpu.memory_space<hbm>> -> memref<32x768xf32, #tpu.memory_space<hbm>>
      tpu.wait_dma2 semaphore(%run_scoped3A : memref<!tpu.dma_semaphore, #tpu.memory_space<semaphore_mem>>) src(%arg6 : memref<32x768xf32, #tpu.memory_space<vmem>>) dst(%dma_wait3A_48 : memref<32x768xf32, #tpu.memory_space<hbm>>)
      tpu.yield
    }) : () -> ()
    return
  }
}

module attributes {stable_mosaic.version = 14 : i64} {
  func.func @_entropy_body(%arg0: i32, %arg1: memref<1x2048x768xf32, #tpu.memory_space<vmem>>, %arg2: memref<1x1x2048xf32, #tpu.memory_space<vmem>>) attributes {dimension_semantics = [#tpu.dimension_semantics<arbitrary>], iteration_bounds = array<i64: 4>, scalar_prefetch = 0 : i64, scratch_operands = 0 : i64, tpu.core_type = #tpu.core_type<tc>, window_params = [{transform_indices = @transform_0, window_bounds = array<i64: 1, 2048, 768>}, {transform_indices = @transform_1, window_bounds = array<i64: 1, 1, 2048>}]} {
    %get3A = arith.constant 0 : index
    %get3A_0 = arith.constant 0 : index
    %get3A_1 = arith.constant 0 : index
    %get3A_2 = vector.load %arg1[%get3A, %get3A_0, %get3A_1] : memref<1x2048x768xf32, #tpu.memory_space<vmem>>, vector<1x2048x768xf32>
    %get3A_3 = vector.shape_cast %get3A_2 : vector<1x2048x768xf32> to vector<2048x768xf32>
    %mul3A = arith.mulf %get3A_3, %get3A_3 : vector<2048x768xf32>
    %reduce_sum3A = arith.constant dense<0.000000e+00> : vector<2048xf32>
    %reduce_sum3A_4 = vector.multi_reduction <add>, %mul3A, %reduce_sum3A [1] : vector<2048x768xf32> to vector<2048xf32>
    %broadcast_in_dim3A = vector.shape_cast %reduce_sum3A_4 : vector<2048xf32> to vector<1x2048xf32>
    %squeeze3A = vector.shape_cast %broadcast_in_dim3A : vector<1x2048xf32> to vector<2048xf32>
    %slice3A = vector.extract_strided_slice %get3A_3 {offsets = [0, 0], sizes = [512, 768], strides = [1, 1]} : vector<2048x768xf32> to vector<512x768xf32>
    %mul3A_5 = arith.mulf %slice3A, %slice3A : vector<512x768xf32>
    %reduce_sum3A_6 = arith.constant dense<0.000000e+00> : vector<512xf32>
    %reduce_sum3A_7 = vector.multi_reduction <add>, %mul3A_5, %reduce_sum3A_6 [1] : vector<512x768xf32> to vector<512xf32>
    %dot_general3A = arith.constant dense<0.000000e+00> : vector<512x2048xf32>
    %dot_general3A_8 = tpu.matmul %slice3A, %get3A_3, %dot_general3A {dimension_numbers = #tpu.dot_dimension_numbers<[1], [1], [0], [0], [0, 0, 1, 0], [], []>, transpose_lhs_hint = false} : vector<512x768xf32>, vector<2048x768xf32>, vector<512x2048xf32> -> vector<512x2048xf32>
    %iota3A = tpu.iota {dimensions = array<i32: 0>} : vector<512x128xi32>
    %add3A = arith.constant 0 : i32
    %add3A_9 = vector.broadcast %add3A : i32 to vector<512x128xi32>
    %add3A_10 = arith.addi %add3A_9, %iota3A : vector<512x128xi32>
    %iota3A_11 = tpu.iota {dimensions = array<i32: 1>} : vector<512x128xi32>
    %broadcast_in_dim3A_12 = arith.constant 1.000000e+10 : f32
    %broadcast_in_dim3A_13 = vector.broadcast %broadcast_in_dim3A_12 : f32 to vector<512x128xf32>
    %slice3A_14 = vector.extract_strided_slice %dot_general3A_8 {offsets = [0, 0], sizes = [512, 128], strides = [1, 1]} : vector<512x2048xf32> to vector<512x128xf32>
    %slice3A_15 = vector.extract_strided_slice %squeeze3A {offsets = [0], sizes = [128], strides = [1]} : vector<2048xf32> to vector<128xf32>
    %broadcast_in_dim3A_16 = vector.shape_cast %reduce_sum3A_7 : vector<512xf32> to vector<512x1xf32>
    %broadcast_in_dim3A_17 = vector.shape_cast %slice3A_15 : vector<128xf32> to vector<1x128xf32>
    %add3A_18 = vector.broadcast %broadcast_in_dim3A_16 : vector<512x1xf32> to vector<512x128xf32>
    %add3A_19 = vector.broadcast %broadcast_in_dim3A_17 : vector<1x128xf32> to vector<512x128xf32>
    %add3A_20 = arith.addf %add3A_18, %add3A_19 : vector<512x128xf32>
    %mul3A_21 = arith.constant 2.000000e+00 : f32
    %mul3A_22 = vector.broadcast %mul3A_21 : f32 to vector<512x128xf32>
    %mul3A_23 = arith.mulf %mul3A_22, %slice3A_14 : vector<512x128xf32>
    %sub3A = arith.subf %add3A_20, %mul3A_23 : vector<512x128xf32>
    %max3A = arith.constant 0.000000e+00 : f32
    %max3A_24 = vector.broadcast %max3A : f32 to vector<512x128xf32>
    %max3A_25 = arith.maximumf %sub3A, %max3A_24 : vector<512x128xf32>
    %add3A_26 = arith.constant 0 : i32
    %add3A_27 = vector.broadcast %add3A_26 : i32 to vector<512x128xi32>
    %add3A_28 = arith.addi %add3A_27, %iota3A_11 : vector<512x128xi32>
    %eq3A = arith.cmpi eq, %add3A_10, %add3A_28 : vector<512x128xi32>
    %jit3A = arith.constant 1.000000e+10 : f32
    %broadcast_in_dim3A_29 = vector.broadcast %jit3A : f32 to vector<512x128xf32>
    %select_n3A = arith.select %eq3A, %broadcast_in_dim3A_29, %max3A_25 : vector<512x128xi1>, vector<512x128xf32>
    %slice3A_30 = vector.extract_strided_slice %dot_general3A_8 {offsets = [0, 128], sizes = [512, 128], strides = [1, 1]} : vector<512x2048xf32> to vector<512x128xf32>
    %slice3A_31 = vector.extract_strided_slice %squeeze3A {offsets = [128], sizes = [128], strides = [1]} : vector<2048xf32> to vector<128xf32>
    %broadcast_in_dim3A_32 = vector.shape_cast %reduce_sum3A_7 : vector<512xf32> to vector<512x1xf32>
    %broadcast_in_dim3A_33 = vector.shape_cast %slice3A_31 : vector<128xf32> to vector<1x128xf32>
    %add3A_34 = vector.broadcast %broadcast_in_dim3A_32 : vector<512x1xf32> to vector<512x128xf32>
    %add3A_35 = vector.broadcast %broadcast_in_dim3A_33 : vector<1x128xf32> to vector<512x128xf32>
    %add3A_36 = arith.addf %add3A_34, %add3A_35 : vector<512x128xf32>
    %mul3A_37 = arith.constant 2.000000e+00 : f32
    %mul3A_38 = vector.broadcast %mul3A_37 : f32 to vector<512x128xf32>
    %mul3A_39 = arith.mulf %mul3A_38, %slice3A_30 : vector<512x128xf32>
    %sub3A_40 = arith.subf %add3A_36, %mul3A_39 : vector<512x128xf32>
    %max3A_41 = arith.constant 0.000000e+00 : f32
    %max3A_42 = vector.broadcast %max3A_41 : f32 to vector<512x128xf32>
    %max3A_43 = arith.maximumf %sub3A_40, %max3A_42 : vector<512x128xf32>
    %add3A_44 = arith.constant 128 : i32
    %add3A_45 = vector.broadcast %add3A_44 : i32 to vector<512x128xi32>
    %add3A_46 = arith.addi %add3A_45, %iota3A_11 : vector<512x128xi32>
    %eq3A_47 = arith.cmpi eq, %add3A_10, %add3A_46 : vector<512x128xi32>
    %jit3A_48 = arith.constant 1.000000e+10 : f32
    %broadcast_in_dim3A_49 = vector.broadcast %jit3A_48 : f32 to vector<512x128xf32>
    %select_n3A_50 = arith.select %eq3A_47, %broadcast_in_dim3A_49, %max3A_43 : vector<512x128xi1>, vector<512x128xf32>
    %min3A = arith.minimumf %select_n3A, %select_n3A_50 : vector<512x128xf32>
    %max3A_51 = arith.maximumf %select_n3A, %select_n3A_50 : vector<512x128xf32>
    %min3A_52 = arith.minimumf %broadcast_in_dim3A_13, %max3A_51 : vector<512x128xf32>
    %slice3A_53 = vector.extract_strided_slice %dot_general3A_8 {offsets = [0, 256], sizes = [512, 128], strides = [1, 1]} : vector<512x2048xf32> to vector<512x128xf32>
    %slice3A_54 = vector.extract_strided_slice %squeeze3A {offsets = [256], sizes = [128], strides = [1]} : vector<2048xf32> to vector<128xf32>
    %broadcast_in_dim3A_55 = vector.shape_cast %reduce_sum3A_7 : vector<512xf32> to vector<512x1xf32>
    %broadcast_in_dim3A_56 = vector.shape_cast %slice3A_54 : vector<128xf32> to vector<1x128xf32>
    %add3A_57 = vector.broadcast %broadcast_in_dim3A_55 : vector<512x1xf32> to vector<512x128xf32>
    %add3A_58 = vector.broadcast %broadcast_in_dim3A_56 : vector<1x128xf32> to vector<512x128xf32>
    %add3A_59 = arith.addf %add3A_57, %add3A_58 : vector<512x128xf32>
    %mul3A_60 = arith.constant 2.000000e+00 : f32
    %mul3A_61 = vector.broadcast %mul3A_60 : f32 to vector<512x128xf32>
    %mul3A_62 = arith.mulf %mul3A_61, %slice3A_53 : vector<512x128xf32>
    %sub3A_63 = arith.subf %add3A_59, %mul3A_62 : vector<512x128xf32>
    %max3A_64 = arith.constant 0.000000e+00 : f32
    %max3A_65 = vector.broadcast %max3A_64 : f32 to vector<512x128xf32>
    %max3A_66 = arith.maximumf %sub3A_63, %max3A_65 : vector<512x128xf32>
    %add3A_67 = arith.constant 256 : i32
    %add3A_68 = vector.broadcast %add3A_67 : i32 to vector<512x128xi32>
    %add3A_69 = arith.addi %add3A_68, %iota3A_11 : vector<512x128xi32>
    %eq3A_70 = arith.cmpi eq, %add3A_10, %add3A_69 : vector<512x128xi32>
    %jit3A_71 = arith.constant 1.000000e+10 : f32
    %broadcast_in_dim3A_72 = vector.broadcast %jit3A_71 : f32 to vector<512x128xf32>
    %select_n3A_73 = arith.select %eq3A_70, %broadcast_in_dim3A_72, %max3A_66 : vector<512x128xi1>, vector<512x128xf32>
    %min3A_74 = arith.minimumf %min3A, %select_n3A_73 : vector<512x128xf32>
    %max3A_75 = arith.maximumf %min3A, %select_n3A_73 : vector<512x128xf32>
    %min3A_76 = arith.minimumf %min3A_52, %max3A_75 : vector<512x128xf32>
    %max3A_77 = arith.maximumf %min3A_52, %max3A_75 : vector<512x128xf32>
    %min3A_78 = arith.minimumf %broadcast_in_dim3A_13, %max3A_77 : vector<512x128xf32>
    %slice3A_79 = vector.extract_strided_slice %dot_general3A_8 {offsets = [0, 384], sizes = [512, 128], strides = [1, 1]} : vector<512x2048xf32> to vector<512x128xf32>
    %slice3A_80 = vector.extract_strided_slice %squeeze3A {offsets = [384], sizes = [128], strides = [1]} : vector<2048xf32> to vector<128xf32>
    %broadcast_in_dim3A_81 = vector.shape_cast %reduce_sum3A_7 : vector<512xf32> to vector<512x1xf32>
    %broadcast_in_dim3A_82 = vector.shape_cast %slice3A_80 : vector<128xf32> to vector<1x128xf32>
    %add3A_83 = vector.broadcast %broadcast_in_dim3A_81 : vector<512x1xf32> to vector<512x128xf32>
    %add3A_84 = vector.broadcast %broadcast_in_dim3A_82 : vector<1x128xf32> to vector<512x128xf32>
    %add3A_85 = arith.addf %add3A_83, %add3A_84 : vector<512x128xf32>
    %mul3A_86 = arith.constant 2.000000e+00 : f32
    %mul3A_87 = vector.broadcast %mul3A_86 : f32 to vector<512x128xf32>
    %mul3A_88 = arith.mulf %mul3A_87, %slice3A_79 : vector<512x128xf32>
    %sub3A_89 = arith.subf %add3A_85, %mul3A_88 : vector<512x128xf32>
    %max3A_90 = arith.constant 0.000000e+00 : f32
    %max3A_91 = vector.broadcast %max3A_90 : f32 to vector<512x128xf32>
    %max3A_92 = arith.maximumf %sub3A_89, %max3A_91 : vector<512x128xf32>
    %add3A_93 = arith.constant 384 : i32
    %add3A_94 = vector.broadcast %add3A_93 : i32 to vector<512x128xi32>
    %add3A_95 = arith.addi %add3A_94, %iota3A_11 : vector<512x128xi32>
    %eq3A_96 = arith.cmpi eq, %add3A_10, %add3A_95 : vector<512x128xi32>
    %jit3A_97 = arith.constant 1.000000e+10 : f32
    %broadcast_in_dim3A_98 = vector.broadcast %jit3A_97 : f32 to vector<512x128xf32>
    %select_n3A_99 = arith.select %eq3A_96, %broadcast_in_dim3A_98, %max3A_92 : vector<512x128xi1>, vector<512x128xf32>
    %min3A_100 = arith.minimumf %min3A_74, %select_n3A_99 : vector<512x128xf32>
    %max3A_101 = arith.maximumf %min3A_74, %select_n3A_99 : vector<512x128xf32>
    %min3A_102 = arith.minimumf %min3A_76, %max3A_101 : vector<512x128xf32>
    %max3A_103 = arith.maximumf %min3A_76, %max3A_101 : vector<512x128xf32>
    %min3A_104 = arith.minimumf %min3A_78, %max3A_103 : vector<512x128xf32>
    %max3A_105 = arith.maximumf %min3A_78, %max3A_103 : vector<512x128xf32>
    %min3A_106 = arith.minimumf %broadcast_in_dim3A_13, %max3A_105 : vector<512x128xf32>
    %slice3A_107 = vector.extract_strided_slice %dot_general3A_8 {offsets = [0, 512], sizes = [512, 128], strides = [1, 1]} : vector<512x2048xf32> to vector<512x128xf32>
    %slice3A_108 = vector.extract_strided_slice %squeeze3A {offsets = [512], sizes = [128], strides = [1]} : vector<2048xf32> to vector<128xf32>
    %broadcast_in_dim3A_109 = vector.shape_cast %reduce_sum3A_7 : vector<512xf32> to vector<512x1xf32>
    %broadcast_in_dim3A_110 = vector.shape_cast %slice3A_108 : vector<128xf32> to vector<1x128xf32>
    %add3A_111 = vector.broadcast %broadcast_in_dim3A_109 : vector<512x1xf32> to vector<512x128xf32>
    %add3A_112 = vector.broadcast %broadcast_in_dim3A_110 : vector<1x128xf32> to vector<512x128xf32>
    %add3A_113 = arith.addf %add3A_111, %add3A_112 : vector<512x128xf32>
    %mul3A_114 = arith.constant 2.000000e+00 : f32
    %mul3A_115 = vector.broadcast %mul3A_114 : f32 to vector<512x128xf32>
    %mul3A_116 = arith.mulf %mul3A_115, %slice3A_107 : vector<512x128xf32>
    %sub3A_117 = arith.subf %add3A_113, %mul3A_116 : vector<512x128xf32>
    %max3A_118 = arith.constant 0.000000e+00 : f32
    %max3A_119 = vector.broadcast %max3A_118 : f32 to vector<512x128xf32>
    %max3A_120 = arith.maximumf %sub3A_117, %max3A_119 : vector<512x128xf32>
    %min3A_121 = arith.minimumf %min3A_100, %max3A_120 : vector<512x128xf32>
    %max3A_122 = arith.maximumf %min3A_100, %max3A_120 : vector<512x128xf32>
    %min3A_123 = arith.minimumf %min3A_102, %max3A_122 : vector<512x128xf32>
    %max3A_124 = arith.maximumf %min3A_102, %max3A_122 : vector<512x128xf32>
    %min3A_125 = arith.minimumf %min3A_104, %max3A_124 : vector<512x128xf32>
    %max3A_126 = arith.maximumf %min3A_104, %max3A_124 : vector<512x128xf32>
    %min3A_127 = arith.minimumf %min3A_106, %max3A_126 : vector<512x128xf32>
    %max3A_128 = arith.maximumf %min3A_106, %max3A_126 : vector<512x128xf32>
    %min3A_129 = arith.minimumf %broadcast_in_dim3A_13, %max3A_128 : vector<512x128xf32>
    %slice3A_130 = vector.extract_strided_slice %dot_general3A_8 {offsets = [0, 640], sizes = [512, 128], strides = [1, 1]} : vector<512x2048xf32> to vector<512x128xf32>
    %slice3A_131 = vector.extract_strided_slice %squeeze3A {offsets = [640], sizes = [128], strides = [1]} : vector<2048xf32> to vector<128xf32>
    %broadcast_in_dim3A_132 = vector.shape_cast %reduce_sum3A_7 : vector<512xf32> to vector<512x1xf32>
    %broadcast_in_dim3A_133 = vector.shape_cast %slice3A_131 : vector<128xf32> to vector<1x128xf32>
    %add3A_134 = vector.broadcast %broadcast_in_dim3A_132 : vector<512x1xf32> to vector<512x128xf32>
    %add3A_135 = vector.broadcast %broadcast_in_dim3A_133 : vector<1x128xf32> to vector<512x128xf32>
    %add3A_136 = arith.addf %add3A_134, %add3A_135 : vector<512x128xf32>
    %mul3A_137 = arith.constant 2.000000e+00 : f32
    %mul3A_138 = vector.broadcast %mul3A_137 : f32 to vector<512x128xf32>
    %mul3A_139 = arith.mulf %mul3A_138, %slice3A_130 : vector<512x128xf32>
    %sub3A_140 = arith.subf %add3A_136, %mul3A_139 : vector<512x128xf32>
    %max3A_141 = arith.constant 0.000000e+00 : f32
    %max3A_142 = vector.broadcast %max3A_141 : f32 to vector<512x128xf32>
    %max3A_143 = arith.maximumf %sub3A_140, %max3A_142 : vector<512x128xf32>
    %min3A_144 = arith.minimumf %min3A_121, %max3A_143 : vector<512x128xf32>
    %max3A_145 = arith.maximumf %min3A_121, %max3A_143 : vector<512x128xf32>
    %min3A_146 = arith.minimumf %min3A_123, %max3A_145 : vector<512x128xf32>
    %max3A_147 = arith.maximumf %min3A_123, %max3A_145 : vector<512x128xf32>
    %min3A_148 = arith.minimumf %min3A_125, %max3A_147 : vector<512x128xf32>
    %max3A_149 = arith.maximumf %min3A_125, %max3A_147 : vector<512x128xf32>
    %min3A_150 = arith.minimumf %min3A_127, %max3A_149 : vector<512x128xf32>
    %max3A_151 = arith.maximumf %min3A_127, %max3A_149 : vector<512x128xf32>
    %min3A_152 = arith.minimumf %min3A_129, %max3A_151 : vector<512x128xf32>
    %slice3A_153 = vector.extract_strided_slice %dot_general3A_8 {offsets = [0, 768], sizes = [512, 128], strides = [1, 1]} : vector<512x2048xf32> to vector<512x128xf32>
    %slice3A_154 = vector.extract_strided_slice %squeeze3A {offsets = [768], sizes = [128], strides = [1]} : vector<2048xf32> to vector<128xf32>
    %broadcast_in_dim3A_155 = vector.shape_cast %reduce_sum3A_7 : vector<512xf32> to vector<512x1xf32>
    %broadcast_in_dim3A_156 = vector.shape_cast %slice3A_154 : vector<128xf32> to vector<1x128xf32>
    %add3A_157 = vector.broadcast %broadcast_in_dim3A_155 : vector<512x1xf32> to vector<512x128xf32>
    %add3A_158 = vector.broadcast %broadcast_in_dim3A_156 : vector<1x128xf32> to vector<512x128xf32>
    %add3A_159 = arith.addf %add3A_157, %add3A_158 : vector<512x128xf32>
    %mul3A_160 = arith.constant 2.000000e+00 : f32
    %mul3A_161 = vector.broadcast %mul3A_160 : f32 to vector<512x128xf32>
    %mul3A_162 = arith.mulf %mul3A_161, %slice3A_153 : vector<512x128xf32>
    %sub3A_163 = arith.subf %add3A_159, %mul3A_162 : vector<512x128xf32>
    %max3A_164 = arith.constant 0.000000e+00 : f32
    %max3A_165 = vector.broadcast %max3A_164 : f32 to vector<512x128xf32>
    %max3A_166 = arith.maximumf %sub3A_163, %max3A_165 : vector<512x128xf32>
    %min3A_167 = arith.minimumf %min3A_144, %max3A_166 : vector<512x128xf32>
    %max3A_168 = arith.maximumf %min3A_144, %max3A_166 : vector<512x128xf32>
    %min3A_169 = arith.minimumf %min3A_146, %max3A_168 : vector<512x128xf32>
    %max3A_170 = arith.maximumf %min3A_146, %max3A_168 : vector<512x128xf32>
    %min3A_171 = arith.minimumf %min3A_148, %max3A_170 : vector<512x128xf32>
    %max3A_172 = arith.maximumf %min3A_148, %max3A_170 : vector<512x128xf32>
    %min3A_173 = arith.minimumf %min3A_150, %max3A_172 : vector<512x128xf32>
    %max3A_174 = arith.maximumf %min3A_150, %max3A_172 : vector<512x128xf32>
    %min3A_175 = arith.minimumf %min3A_152, %max3A_174 : vector<512x128xf32>
    %slice3A_176 = vector.extract_strided_slice %dot_general3A_8 {offsets = [0, 896], sizes = [512, 128], strides = [1, 1]} : vector<512x2048xf32> to vector<512x128xf32>
    %slice3A_177 = vector.extract_strided_slice %squeeze3A {offsets = [896], sizes = [128], strides = [1]} : vector<2048xf32> to vector<128xf32>
    %broadcast_in_dim3A_178 = vector.shape_cast %reduce_sum3A_7 : vector<512xf32> to vector<512x1xf32>
    %broadcast_in_dim3A_179 = vector.shape_cast %slice3A_177 : vector<128xf32> to vector<1x128xf32>
    %add3A_180 = vector.broadcast %broadcast_in_dim3A_178 : vector<512x1xf32> to vector<512x128xf32>
    %add3A_181 = vector.broadcast %broadcast_in_dim3A_179 : vector<1x128xf32> to vector<512x128xf32>
    %add3A_182 = arith.addf %add3A_180, %add3A_181 : vector<512x128xf32>
    %mul3A_183 = arith.constant 2.000000e+00 : f32
    %mul3A_184 = vector.broadcast %mul3A_183 : f32 to vector<512x128xf32>
    %mul3A_185 = arith.mulf %mul3A_184, %slice3A_176 : vector<512x128xf32>
    %sub3A_186 = arith.subf %add3A_182, %mul3A_185 : vector<512x128xf32>
    %max3A_187 = arith.constant 0.000000e+00 : f32
    %max3A_188 = vector.broadcast %max3A_187 : f32 to vector<512x128xf32>
    %max3A_189 = arith.maximumf %sub3A_186, %max3A_188 : vector<512x128xf32>
    %min3A_190 = arith.minimumf %min3A_167, %max3A_189 : vector<512x128xf32>
    %max3A_191 = arith.maximumf %min3A_167, %max3A_189 : vector<512x128xf32>
    %min3A_192 = arith.minimumf %min3A_169, %max3A_191 : vector<512x128xf32>
    %max3A_193 = arith.maximumf %min3A_169, %max3A_191 : vector<512x128xf32>
    %min3A_194 = arith.minimumf %min3A_171, %max3A_193 : vector<512x128xf32>
    %max3A_195 = arith.maximumf %min3A_171, %max3A_193 : vector<512x128xf32>
    %min3A_196 = arith.minimumf %min3A_173, %max3A_195 : vector<512x128xf32>
    %max3A_197 = arith.maximumf %min3A_173, %max3A_195 : vector<512x128xf32>
    %min3A_198 = arith.minimumf %min3A_175, %max3A_197 : vector<512x128xf32>
    %slice3A_199 = vector.extract_strided_slice %dot_general3A_8 {offsets = [0, 1024], sizes = [512, 128], strides = [1, 1]} : vector<512x2048xf32> to vector<512x128xf32>
    %slice3A_200 = vector.extract_strided_slice %squeeze3A {offsets = [1024], sizes = [128], strides = [1]} : vector<2048xf32> to vector<128xf32>
    %broadcast_in_dim3A_201 = vector.shape_cast %reduce_sum3A_7 : vector<512xf32> to vector<512x1xf32>
    %broadcast_in_dim3A_202 = vector.shape_cast %slice3A_200 : vector<128xf32> to vector<1x128xf32>
    %add3A_203 = vector.broadcast %broadcast_in_dim3A_201 : vector<512x1xf32> to vector<512x128xf32>
    %add3A_204 = vector.broadcast %broadcast_in_dim3A_202 : vector<1x128xf32> to vector<512x128xf32>
    %add3A_205 = arith.addf %add3A_203, %add3A_204 : vector<512x128xf32>
    %mul3A_206 = arith.constant 2.000000e+00 : f32
    %mul3A_207 = vector.broadcast %mul3A_206 : f32 to vector<512x128xf32>
    %mul3A_208 = arith.mulf %mul3A_207, %slice3A_199 : vector<512x128xf32>
    %sub3A_209 = arith.subf %add3A_205, %mul3A_208 : vector<512x128xf32>
    %max3A_210 = arith.constant 0.000000e+00 : f32
    %max3A_211 = vector.broadcast %max3A_210 : f32 to vector<512x128xf32>
    %max3A_212 = arith.maximumf %sub3A_209, %max3A_211 : vector<512x128xf32>
    %min3A_213 = arith.minimumf %min3A_190, %max3A_212 : vector<512x128xf32>
    %max3A_214 = arith.maximumf %min3A_190, %max3A_212 : vector<512x128xf32>
    %min3A_215 = arith.minimumf %min3A_192, %max3A_214 : vector<512x128xf32>
    %max3A_216 = arith.maximumf %min3A_192, %max3A_214 : vector<512x128xf32>
    %min3A_217 = arith.minimumf %min3A_194, %max3A_216 : vector<512x128xf32>
    %max3A_218 = arith.maximumf %min3A_194, %max3A_216 : vector<512x128xf32>
    %min3A_219 = arith.minimumf %min3A_196, %max3A_218 : vector<512x128xf32>
    %max3A_220 = arith.maximumf %min3A_196, %max3A_218 : vector<512x128xf32>
    %min3A_221 = arith.minimumf %min3A_198, %max3A_220 : vector<512x128xf32>
    %slice3A_222 = vector.extract_strided_slice %dot_general3A_8 {offsets = [0, 1152], sizes = [512, 128], strides = [1, 1]} : vector<512x2048xf32> to vector<512x128xf32>
    %slice3A_223 = vector.extract_strided_slice %squeeze3A {offsets = [1152], sizes = [128], strides = [1]} : vector<2048xf32> to vector<128xf32>
    %broadcast_in_dim3A_224 = vector.shape_cast %reduce_sum3A_7 : vector<512xf32> to vector<512x1xf32>
    %broadcast_in_dim3A_225 = vector.shape_cast %slice3A_223 : vector<128xf32> to vector<1x128xf32>
    %add3A_226 = vector.broadcast %broadcast_in_dim3A_224 : vector<512x1xf32> to vector<512x128xf32>
    %add3A_227 = vector.broadcast %broadcast_in_dim3A_225 : vector<1x128xf32> to vector<512x128xf32>
    %add3A_228 = arith.addf %add3A_226, %add3A_227 : vector<512x128xf32>
    %mul3A_229 = arith.constant 2.000000e+00 : f32
    %mul3A_230 = vector.broadcast %mul3A_229 : f32 to vector<512x128xf32>
    %mul3A_231 = arith.mulf %mul3A_230, %slice3A_222 : vector<512x128xf32>
    %sub3A_232 = arith.subf %add3A_228, %mul3A_231 : vector<512x128xf32>
    %max3A_233 = arith.constant 0.000000e+00 : f32
    %max3A_234 = vector.broadcast %max3A_233 : f32 to vector<512x128xf32>
    %max3A_235 = arith.maximumf %sub3A_232, %max3A_234 : vector<512x128xf32>
    %min3A_236 = arith.minimumf %min3A_213, %max3A_235 : vector<512x128xf32>
    %max3A_237 = arith.maximumf %min3A_213, %max3A_235 : vector<512x128xf32>
    %min3A_238 = arith.minimumf %min3A_215, %max3A_237 : vector<512x128xf32>
    %max3A_239 = arith.maximumf %min3A_215, %max3A_237 : vector<512x128xf32>
    %min3A_240 = arith.minimumf %min3A_217, %max3A_239 : vector<512x128xf32>
    %max3A_241 = arith.maximumf %min3A_217, %max3A_239 : vector<512x128xf32>
    %min3A_242 = arith.minimumf %min3A_219, %max3A_241 : vector<512x128xf32>
    %max3A_243 = arith.maximumf %min3A_219, %max3A_241 : vector<512x128xf32>
    %min3A_244 = arith.minimumf %min3A_221, %max3A_243 : vector<512x128xf32>
    %slice3A_245 = vector.extract_strided_slice %dot_general3A_8 {offsets = [0, 1280], sizes = [512, 128], strides = [1, 1]} : vector<512x2048xf32> to vector<512x128xf32>
    %slice3A_246 = vector.extract_strided_slice %squeeze3A {offsets = [1280], sizes = [128], strides = [1]} : vector<2048xf32> to vector<128xf32>
    %broadcast_in_dim3A_247 = vector.shape_cast %reduce_sum3A_7 : vector<512xf32> to vector<512x1xf32>
    %broadcast_in_dim3A_248 = vector.shape_cast %slice3A_246 : vector<128xf32> to vector<1x128xf32>
    %add3A_249 = vector.broadcast %broadcast_in_dim3A_247 : vector<512x1xf32> to vector<512x128xf32>
    %add3A_250 = vector.broadcast %broadcast_in_dim3A_248 : vector<1x128xf32> to vector<512x128xf32>
    %add3A_251 = arith.addf %add3A_249, %add3A_250 : vector<512x128xf32>
    %mul3A_252 = arith.constant 2.000000e+00 : f32
    %mul3A_253 = vector.broadcast %mul3A_252 : f32 to vector<512x128xf32>
    %mul3A_254 = arith.mulf %mul3A_253, %slice3A_245 : vector<512x128xf32>
    %sub3A_255 = arith.subf %add3A_251, %mul3A_254 : vector<512x128xf32>
    %max3A_256 = arith.constant 0.000000e+00 : f32
    %max3A_257 = vector.broadcast %max3A_256 : f32 to vector<512x128xf32>
    %max3A_258 = arith.maximumf %sub3A_255, %max3A_257 : vector<512x128xf32>
    %min3A_259 = arith.minimumf %min3A_236, %max3A_258 : vector<512x128xf32>
    %max3A_260 = arith.maximumf %min3A_236, %max3A_258 : vector<512x128xf32>
    %min3A_261 = arith.minimumf %min3A_238, %max3A_260 : vector<512x128xf32>
    %max3A_262 = arith.maximumf %min3A_238, %max3A_260 : vector<512x128xf32>
    %min3A_263 = arith.minimumf %min3A_240, %max3A_262 : vector<512x128xf32>
    %max3A_264 = arith.maximumf %min3A_240, %max3A_262 : vector<512x128xf32>
    %min3A_265 = arith.minimumf %min3A_242, %max3A_264 : vector<512x128xf32>
    %max3A_266 = arith.maximumf %min3A_242, %max3A_264 : vector<512x128xf32>
    %min3A_267 = arith.minimumf %min3A_244, %max3A_266 : vector<512x128xf32>
    %slice3A_268 = vector.extract_strided_slice %dot_general3A_8 {offsets = [0, 1408], sizes = [512, 128], strides = [1, 1]} : vector<512x2048xf32> to vector<512x128xf32>
    %slice3A_269 = vector.extract_strided_slice %squeeze3A {offsets = [1408], sizes = [128], strides = [1]} : vector<2048xf32> to vector<128xf32>
    %broadcast_in_dim3A_270 = vector.shape_cast %reduce_sum3A_7 : vector<512xf32> to vector<512x1xf32>
    %broadcast_in_dim3A_271 = vector.shape_cast %slice3A_269 : vector<128xf32> to vector<1x128xf32>
    %add3A_272 = vector.broadcast %broadcast_in_dim3A_270 : vector<512x1xf32> to vector<512x128xf32>
    %add3A_273 = vector.broadcast %broadcast_in_dim3A_271 : vector<1x128xf32> to vector<512x128xf32>
    %add3A_274 = arith.addf %add3A_272, %add3A_273 : vector<512x128xf32>
    %mul3A_275 = arith.constant 2.000000e+00 : f32
    %mul3A_276 = vector.broadcast %mul3A_275 : f32 to vector<512x128xf32>
    %mul3A_277 = arith.mulf %mul3A_276, %slice3A_268 : vector<512x128xf32>
    %sub3A_278 = arith.subf %add3A_274, %mul3A_277 : vector<512x128xf32>
    %max3A_279 = arith.constant 0.000000e+00 : f32
    %max3A_280 = vector.broadcast %max3A_279 : f32 to vector<512x128xf32>
    %max3A_281 = arith.maximumf %sub3A_278, %max3A_280 : vector<512x128xf32>
    %min3A_282 = arith.minimumf %min3A_259, %max3A_281 : vector<512x128xf32>
    %max3A_283 = arith.maximumf %min3A_259, %max3A_281 : vector<512x128xf32>
    %min3A_284 = arith.minimumf %min3A_261, %max3A_283 : vector<512x128xf32>
    %max3A_285 = arith.maximumf %min3A_261, %max3A_283 : vector<512x128xf32>
    %min3A_286 = arith.minimumf %min3A_263, %max3A_285 : vector<512x128xf32>
    %max3A_287 = arith.maximumf %min3A_263, %max3A_285 : vector<512x128xf32>
    %min3A_288 = arith.minimumf %min3A_265, %max3A_287 : vector<512x128xf32>
    %max3A_289 = arith.maximumf %min3A_265, %max3A_287 : vector<512x128xf32>
    %min3A_290 = arith.minimumf %min3A_267, %max3A_289 : vector<512x128xf32>
    %slice3A_291 = vector.extract_strided_slice %dot_general3A_8 {offsets = [0, 1536], sizes = [512, 128], strides = [1, 1]} : vector<512x2048xf32> to vector<512x128xf32>
    %slice3A_292 = vector.extract_strided_slice %squeeze3A {offsets = [1536], sizes = [128], strides = [1]} : vector<2048xf32> to vector<128xf32>
    %broadcast_in_dim3A_293 = vector.shape_cast %reduce_sum3A_7 : vector<512xf32> to vector<512x1xf32>
    %broadcast_in_dim3A_294 = vector.shape_cast %slice3A_292 : vector<128xf32> to vector<1x128xf32>
    %add3A_295 = vector.broadcast %broadcast_in_dim3A_293 : vector<512x1xf32> to vector<512x128xf32>
    %add3A_296 = vector.broadcast %broadcast_in_dim3A_294 : vector<1x128xf32> to vector<512x128xf32>
    %add3A_297 = arith.addf %add3A_295, %add3A_296 : vector<512x128xf32>
    %mul3A_298 = arith.constant 2.000000e+00 : f32
    %mul3A_299 = vector.broadcast %mul3A_298 : f32 to vector<512x128xf32>
    %mul3A_300 = arith.mulf %mul3A_299, %slice3A_291 : vector<512x128xf32>
    %sub3A_301 = arith.subf %add3A_297, %mul3A_300 : vector<512x128xf32>
    %max3A_302 = arith.constant 0.000000e+00 : f32
    %max3A_303 = vector.broadcast %max3A_302 : f32 to vector<512x128xf32>
    %max3A_304 = arith.maximumf %sub3A_301, %max3A_303 : vector<512x128xf32>
    %min3A_305 = arith.minimumf %min3A_282, %max3A_304 : vector<512x128xf32>
    %max3A_306 = arith.maximumf %min3A_282, %max3A_304 : vector<512x128xf32>
    %min3A_307 = arith.minimumf %min3A_284, %max3A_306 : vector<512x128xf32>
    %max3A_308 = arith.maximumf %min3A_284, %max3A_306 : vector<512x128xf32>
    %min3A_309 = arith.minimumf %min3A_286, %max3A_308 : vector<512x128xf32>
    %max3A_310 = arith.maximumf %min3A_286, %max3A_308 : vector<512x128xf32>
    %min3A_311 = arith.minimumf %min3A_288, %max3A_310 : vector<512x128xf32>
    %max3A_312 = arith.maximumf %min3A_288, %max3A_310 : vector<512x128xf32>
    %min3A_313 = arith.minimumf %min3A_290, %max3A_312 : vector<512x128xf32>
    %slice3A_314 = vector.extract_strided_slice %dot_general3A_8 {offsets = [0, 1664], sizes = [512, 128], strides = [1, 1]} : vector<512x2048xf32> to vector<512x128xf32>
    %slice3A_315 = vector.extract_strided_slice %squeeze3A {offsets = [1664], sizes = [128], strides = [1]} : vector<2048xf32> to vector<128xf32>
    %broadcast_in_dim3A_316 = vector.shape_cast %reduce_sum3A_7 : vector<512xf32> to vector<512x1xf32>
    %broadcast_in_dim3A_317 = vector.shape_cast %slice3A_315 : vector<128xf32> to vector<1x128xf32>
    %add3A_318 = vector.broadcast %broadcast_in_dim3A_316 : vector<512x1xf32> to vector<512x128xf32>
    %add3A_319 = vector.broadcast %broadcast_in_dim3A_317 : vector<1x128xf32> to vector<512x128xf32>
    %add3A_320 = arith.addf %add3A_318, %add3A_319 : vector<512x128xf32>
    %mul3A_321 = arith.constant 2.000000e+00 : f32
    %mul3A_322 = vector.broadcast %mul3A_321 : f32 to vector<512x128xf32>
    %mul3A_323 = arith.mulf %mul3A_322, %slice3A_314 : vector<512x128xf32>
    %sub3A_324 = arith.subf %add3A_320, %mul3A_323 : vector<512x128xf32>
    %max3A_325 = arith.constant 0.000000e+00 : f32
    %max3A_326 = vector.broadcast %max3A_325 : f32 to vector<512x128xf32>
    %max3A_327 = arith.maximumf %sub3A_324, %max3A_326 : vector<512x128xf32>
    %min3A_328 = arith.minimumf %min3A_305, %max3A_327 : vector<512x128xf32>
    %max3A_329 = arith.maximumf %min3A_305, %max3A_327 : vector<512x128xf32>
    %min3A_330 = arith.minimumf %min3A_307, %max3A_329 : vector<512x128xf32>
    %max3A_331 = arith.maximumf %min3A_307, %max3A_329 : vector<512x128xf32>
    %min3A_332 = arith.minimumf %min3A_309, %max3A_331 : vector<512x128xf32>
    %max3A_333 = arith.maximumf %min3A_309, %max3A_331 : vector<512x128xf32>
    %min3A_334 = arith.minimumf %min3A_311, %max3A_333 : vector<512x128xf32>
    %max3A_335 = arith.maximumf %min3A_311, %max3A_333 : vector<512x128xf32>
    %min3A_336 = arith.minimumf %min3A_313, %max3A_335 : vector<512x128xf32>
    %slice3A_337 = vector.extract_strided_slice %dot_general3A_8 {offsets = [0, 1792], sizes = [512, 128], strides = [1, 1]} : vector<512x2048xf32> to vector<512x128xf32>
    %slice3A_338 = vector.extract_strided_slice %squeeze3A {offsets = [1792], sizes = [128], strides = [1]} : vector<2048xf32> to vector<128xf32>
    %broadcast_in_dim3A_339 = vector.shape_cast %reduce_sum3A_7 : vector<512xf32> to vector<512x1xf32>
    %broadcast_in_dim3A_340 = vector.shape_cast %slice3A_338 : vector<128xf32> to vector<1x128xf32>
    %add3A_341 = vector.broadcast %broadcast_in_dim3A_339 : vector<512x1xf32> to vector<512x128xf32>
    %add3A_342 = vector.broadcast %broadcast_in_dim3A_340 : vector<1x128xf32> to vector<512x128xf32>
    %add3A_343 = arith.addf %add3A_341, %add3A_342 : vector<512x128xf32>
    %mul3A_344 = arith.constant 2.000000e+00 : f32
    %mul3A_345 = vector.broadcast %mul3A_344 : f32 to vector<512x128xf32>
    %mul3A_346 = arith.mulf %mul3A_345, %slice3A_337 : vector<512x128xf32>
    %sub3A_347 = arith.subf %add3A_343, %mul3A_346 : vector<512x128xf32>
    %max3A_348 = arith.constant 0.000000e+00 : f32
    %max3A_349 = vector.broadcast %max3A_348 : f32 to vector<512x128xf32>
    %max3A_350 = arith.maximumf %sub3A_347, %max3A_349 : vector<512x128xf32>
    %min3A_351 = arith.minimumf %min3A_328, %max3A_350 : vector<512x128xf32>
    %max3A_352 = arith.maximumf %min3A_328, %max3A_350 : vector<512x128xf32>
    %min3A_353 = arith.minimumf %min3A_330, %max3A_352 : vector<512x128xf32>
    %max3A_354 = arith.maximumf %min3A_330, %max3A_352 : vector<512x128xf32>
    %min3A_355 = arith.minimumf %min3A_332, %max3A_354 : vector<512x128xf32>
    %max3A_356 = arith.maximumf %min3A_332, %max3A_354 : vector<512x128xf32>
    %min3A_357 = arith.minimumf %min3A_334, %max3A_356 : vector<512x128xf32>
    %max3A_358 = arith.maximumf %min3A_334, %max3A_356 : vector<512x128xf32>
    %min3A_359 = arith.minimumf %min3A_336, %max3A_358 : vector<512x128xf32>
    %slice3A_360 = vector.extract_strided_slice %dot_general3A_8 {offsets = [0, 1920], sizes = [512, 128], strides = [1, 1]} : vector<512x2048xf32> to vector<512x128xf32>
    %slice3A_361 = vector.extract_strided_slice %squeeze3A {offsets = [1920], sizes = [128], strides = [1]} : vector<2048xf32> to vector<128xf32>
    %broadcast_in_dim3A_362 = vector.shape_cast %reduce_sum3A_7 : vector<512xf32> to vector<512x1xf32>
    %broadcast_in_dim3A_363 = vector.shape_cast %slice3A_361 : vector<128xf32> to vector<1x128xf32>
    %add3A_364 = vector.broadcast %broadcast_in_dim3A_362 : vector<512x1xf32> to vector<512x128xf32>
    %add3A_365 = vector.broadcast %broadcast_in_dim3A_363 : vector<1x128xf32> to vector<512x128xf32>
    %add3A_366 = arith.addf %add3A_364, %add3A_365 : vector<512x128xf32>
    %mul3A_367 = arith.constant 2.000000e+00 : f32
    %mul3A_368 = vector.broadcast %mul3A_367 : f32 to vector<512x128xf32>
    %mul3A_369 = arith.mulf %mul3A_368, %slice3A_360 : vector<512x128xf32>
    %sub3A_370 = arith.subf %add3A_366, %mul3A_369 : vector<512x128xf32>
    %max3A_371 = arith.constant 0.000000e+00 : f32
    %max3A_372 = vector.broadcast %max3A_371 : f32 to vector<512x128xf32>
    %max3A_373 = arith.maximumf %sub3A_370, %max3A_372 : vector<512x128xf32>
    %min3A_374 = arith.minimumf %min3A_351, %max3A_373 : vector<512x128xf32>
    %max3A_375 = arith.maximumf %min3A_351, %max3A_373 : vector<512x128xf32>
    %min3A_376 = arith.minimumf %min3A_353, %max3A_375 : vector<512x128xf32>
    %max3A_377 = arith.maximumf %min3A_353, %max3A_375 : vector<512x128xf32>
    %min3A_378 = arith.minimumf %min3A_355, %max3A_377 : vector<512x128xf32>
    %max3A_379 = arith.maximumf %min3A_355, %max3A_377 : vector<512x128xf32>
    %min3A_380 = arith.minimumf %min3A_357, %max3A_379 : vector<512x128xf32>
    %max3A_381 = arith.maximumf %min3A_357, %max3A_379 : vector<512x128xf32>
    %min3A_382 = arith.minimumf %min3A_359, %max3A_381 : vector<512x128xf32>
    %iota3A_383 = tpu.iota {dimensions = array<i32: 1>} : vector<512x128xi32>
    %broadcast_in_dim3A_384 = arith.constant 0.000000e+00 : f32
    %broadcast_in_dim3A_385 = vector.broadcast %broadcast_in_dim3A_384 : f32 to vector<512xf32>
    %reduce_min3A = arith.constant dense<0x7F800000> : vector<512xf32>
    %reduce_min3A_386 = vector.multi_reduction <minimumf>, %min3A_374, %reduce_min3A [1] : vector<512x128xf32> to vector<512xf32>
    %max3A_387 = arith.constant 9.99999996E-13 : f32
    %max3A_388 = vector.broadcast %max3A_387 : f32 to vector<512xf32>
    %max3A_389 = arith.maximumf %reduce_min3A_386, %max3A_388 : vector<512xf32>
    %sqrt3A = math.sqrt %max3A_389 : vector<512xf32>
    %add3A_390 = arith.addf %broadcast_in_dim3A_385, %sqrt3A : vector<512xf32>
    %broadcast_in_dim3A_391 = vector.shape_cast %reduce_min3A_386 : vector<512xf32> to vector<512x1xf32>
    %eq3A_392 = vector.broadcast %broadcast_in_dim3A_391 : vector<512x1xf32> to vector<512x128xf32>
    %eq3A_393 = arith.cmpf oeq, %min3A_374, %eq3A_392 : vector<512x128xf32>
    %jit3A_394 = arith.constant 128 : i32
    %broadcast_in_dim3A_395 = vector.broadcast %jit3A_394 : i32 to vector<512x128xi32>
    %select_n3A_396 = arith.select %eq3A_393, %iota3A_383, %broadcast_in_dim3A_395 : vector<512x128xi1>, vector<512x128xi32>
    %reduce_min3A_397 = arith.constant dense<2147483647> : vector<512xi32>
    %reduce_min3A_398 = vector.multi_reduction <minsi>, %select_n3A_396, %reduce_min3A_397 [1] : vector<512x128xi32> to vector<512xi32>
    %broadcast_in_dim3A_399 = vector.shape_cast %reduce_min3A_398 : vector<512xi32> to vector<512x1xi32>
    %eq3A_400 = vector.broadcast %broadcast_in_dim3A_399 : vector<512x1xi32> to vector<512x128xi32>
    %eq3A_401 = arith.cmpi eq, %iota3A_383, %eq3A_400 : vector<512x128xi32>
    %select_n3A_402 = arith.select %eq3A_401, %min3A_376, %min3A_374 : vector<512x128xi1>, vector<512x128xf32>
    %select_n3A_403 = arith.select %eq3A_401, %min3A_378, %min3A_376 : vector<512x128xi1>, vector<512x128xf32>
    %select_n3A_404 = arith.select %eq3A_401, %min3A_380, %min3A_378 : vector<512x128xi1>, vector<512x128xf32>
    %select_n3A_405 = arith.select %eq3A_401, %min3A_382, %min3A_380 : vector<512x128xi1>, vector<512x128xf32>
    %reduce_min3A_406 = arith.constant dense<0x7F800000> : vector<512xf32>
    %reduce_min3A_407 = vector.multi_reduction <minimumf>, %select_n3A_402, %reduce_min3A_406 [1] : vector<512x128xf32> to vector<512xf32>
    %max3A_408 = arith.constant 9.99999996E-13 : f32
    %max3A_409 = vector.broadcast %max3A_408 : f32 to vector<512xf32>
    %max3A_410 = arith.maximumf %reduce_min3A_407, %max3A_409 : vector<512xf32>
    %sqrt3A_411 = math.sqrt %max3A_410 : vector<512xf32>
    %add3A_412 = arith.addf %add3A_390, %sqrt3A_411 : vector<512xf32>
    %broadcast_in_dim3A_413 = vector.shape_cast %reduce_min3A_407 : vector<512xf32> to vector<512x1xf32>
    %eq3A_414 = vector.broadcast %broadcast_in_dim3A_413 : vector<512x1xf32> to vector<512x128xf32>
    %eq3A_415 = arith.cmpf oeq, %select_n3A_402, %eq3A_414 : vector<512x128xf32>
    %jit3A_416 = arith.constant 128 : i32
    %broadcast_in_dim3A_417 = vector.broadcast %jit3A_416 : i32 to vector<512x128xi32>
    %select_n3A_418 = arith.select %eq3A_415, %iota3A_383, %broadcast_in_dim3A_417 : vector<512x128xi1>, vector<512x128xi32>
    %reduce_min3A_419 = arith.constant dense<2147483647> : vector<512xi32>
    %reduce_min3A_420 = vector.multi_reduction <minsi>, %select_n3A_418, %reduce_min3A_419 [1] : vector<512x128xi32> to vector<512xi32>
    %broadcast_in_dim3A_421 = vector.shape_cast %reduce_min3A_420 : vector<512xi32> to vector<512x1xi32>
    %eq3A_422 = vector.broadcast %broadcast_in_dim3A_421 : vector<512x1xi32> to vector<512x128xi32>
    %eq3A_423 = arith.cmpi eq, %iota3A_383, %eq3A_422 : vector<512x128xi32>
    %select_n3A_424 = arith.select %eq3A_423, %select_n3A_403, %select_n3A_402 : vector<512x128xi1>, vector<512x128xf32>
    %select_n3A_425 = arith.select %eq3A_423, %select_n3A_404, %select_n3A_403 : vector<512x128xi1>, vector<512x128xf32>
    %select_n3A_426 = arith.select %eq3A_423, %select_n3A_405, %select_n3A_404 : vector<512x128xi1>, vector<512x128xf32>
    %reduce_min3A_427 = arith.constant dense<0x7F800000> : vector<512xf32>
    %reduce_min3A_428 = vector.multi_reduction <minimumf>, %select_n3A_424, %reduce_min3A_427 [1] : vector<512x128xf32> to vector<512xf32>
    %max3A_429 = arith.constant 9.99999996E-13 : f32
    %max3A_430 = vector.broadcast %max3A_429 : f32 to vector<512xf32>
    %max3A_431 = arith.maximumf %reduce_min3A_428, %max3A_430 : vector<512xf32>
    %sqrt3A_432 = math.sqrt %max3A_431 : vector<512xf32>
    %add3A_433 = arith.addf %add3A_412, %sqrt3A_432 : vector<512xf32>
    %broadcast_in_dim3A_434 = vector.shape_cast %reduce_min3A_428 : vector<512xf32> to vector<512x1xf32>
    %eq3A_435 = vector.broadcast %broadcast_in_dim3A_434 : vector<512x1xf32> to vector<512x128xf32>
    %eq3A_436 = arith.cmpf oeq, %select_n3A_424, %eq3A_435 : vector<512x128xf32>
    %jit3A_437 = arith.constant 128 : i32
    %broadcast_in_dim3A_438 = vector.broadcast %jit3A_437 : i32 to vector<512x128xi32>
    %select_n3A_439 = arith.select %eq3A_436, %iota3A_383, %broadcast_in_dim3A_438 : vector<512x128xi1>, vector<512x128xi32>
    %reduce_min3A_440 = arith.constant dense<2147483647> : vector<512xi32>
    %reduce_min3A_441 = vector.multi_reduction <minsi>, %select_n3A_439, %reduce_min3A_440 [1] : vector<512x128xi32> to vector<512xi32>
    %broadcast_in_dim3A_442 = vector.shape_cast %reduce_min3A_441 : vector<512xi32> to vector<512x1xi32>
    %eq3A_443 = vector.broadcast %broadcast_in_dim3A_442 : vector<512x1xi32> to vector<512x128xi32>
    %eq3A_444 = arith.cmpi eq, %iota3A_383, %eq3A_443 : vector<512x128xi32>
    %select_n3A_445 = arith.select %eq3A_444, %select_n3A_425, %select_n3A_424 : vector<512x128xi1>, vector<512x128xf32>
    %select_n3A_446 = arith.select %eq3A_444, %select_n3A_426, %select_n3A_425 : vector<512x128xi1>, vector<512x128xf32>
    %reduce_min3A_447 = arith.constant dense<0x7F800000> : vector<512xf32>
    %reduce_min3A_448 = vector.multi_reduction <minimumf>, %select_n3A_445, %reduce_min3A_447 [1] : vector<512x128xf32> to vector<512xf32>
    %max3A_449 = arith.constant 9.99999996E-13 : f32
    %max3A_450 = vector.broadcast %max3A_449 : f32 to vector<512xf32>
    %max3A_451 = arith.maximumf %reduce_min3A_448, %max3A_450 : vector<512xf32>
    %sqrt3A_452 = math.sqrt %max3A_451 : vector<512xf32>
    %add3A_453 = arith.addf %add3A_433, %sqrt3A_452 : vector<512xf32>
    %broadcast_in_dim3A_454 = vector.shape_cast %reduce_min3A_448 : vector<512xf32> to vector<512x1xf32>
    %eq3A_455 = vector.broadcast %broadcast_in_dim3A_454 : vector<512x1xf32> to vector<512x128xf32>
    %eq3A_456 = arith.cmpf oeq, %select_n3A_445, %eq3A_455 : vector<512x128xf32>
    %jit3A_457 = arith.constant 128 : i32
    %broadcast_in_dim3A_458 = vector.broadcast %jit3A_457 : i32 to vector<512x128xi32>
    %select_n3A_459 = arith.select %eq3A_456, %iota3A_383, %broadcast_in_dim3A_458 : vector<512x128xi1>, vector<512x128xi32>
    %reduce_min3A_460 = arith.constant dense<2147483647> : vector<512xi32>
    %reduce_min3A_461 = vector.multi_reduction <minsi>, %select_n3A_459, %reduce_min3A_460 [1] : vector<512x128xi32> to vector<512xi32>
    %broadcast_in_dim3A_462 = vector.shape_cast %reduce_min3A_461 : vector<512xi32> to vector<512x1xi32>
    %eq3A_463 = vector.broadcast %broadcast_in_dim3A_462 : vector<512x1xi32> to vector<512x128xi32>
    %eq3A_464 = arith.cmpi eq, %iota3A_383, %eq3A_463 : vector<512x128xi32>
    %select_n3A_465 = arith.select %eq3A_464, %select_n3A_446, %select_n3A_445 : vector<512x128xi1>, vector<512x128xf32>
    %reduce_min3A_466 = arith.constant dense<0x7F800000> : vector<512xf32>
    %reduce_min3A_467 = vector.multi_reduction <minimumf>, %select_n3A_465, %reduce_min3A_466 [1] : vector<512x128xf32> to vector<512xf32>
    %max3A_468 = arith.constant 9.99999996E-13 : f32
    %max3A_469 = vector.broadcast %max3A_468 : f32 to vector<512xf32>
    %max3A_470 = arith.maximumf %reduce_min3A_467, %max3A_469 : vector<512xf32>
    %sqrt3A_471 = math.sqrt %max3A_470 : vector<512xf32>
    %add3A_472 = arith.addf %add3A_453, %sqrt3A_471 : vector<512xf32>
    %div3A = arith.constant 5.000000e+00 : f32
    %div3A_473 = vector.broadcast %div3A : f32 to vector<512xf32>
    %div3A_474 = arith.divf %add3A_472, %div3A_473 : vector<512xf32>
    %swap3A = arith.constant 0 : index
    %swap3A_475 = arith.constant 0 : index
    %swap3A_476 = arith.constant 0 : index
    %swap3A_477 = vector.load %arg2[%swap3A, %swap3A_475, %swap3A_476] : memref<1x1x2048xf32, #tpu.memory_space<vmem>>, vector<1x1x512xf32>
    %swap3A_478 = vector.shape_cast %swap3A_477 : vector<1x1x512xf32> to vector<512xf32>
    %swap3A_479 = vector.shape_cast %div3A_474 : vector<512xf32> to vector<1x1x512xf32>
    tpu.vector_store %arg2[%swap3A, %swap3A_475, %swap3A_476], %swap3A_479 {strides = array<i32>} : memref<1x1x2048xf32, #tpu.memory_space<vmem>>, vector<1x1x512xf32>,
    %slice3A_480 = vector.extract_strided_slice %get3A_3 {offsets = [512, 0], sizes = [512, 768], strides = [1, 1]} : vector<2048x768xf32> to vector<512x768xf32>
    %mul3A_481 = arith.mulf %slice3A_480, %slice3A_480 : vector<512x768xf32>
    %reduce_sum3A_482 = arith.constant dense<0.000000e+00> : vector<512xf32>
    %reduce_sum3A_483 = vector.multi_reduction <add>, %mul3A_481, %reduce_sum3A_482 [1] : vector<512x768xf32> to vector<512xf32>
    %dot_general3A_484 = arith.constant dense<0.000000e+00> : vector<512x2048xf32>
    %dot_general3A_485 = tpu.matmul %slice3A_480, %get3A_3, %dot_general3A_484 {dimension_numbers = #tpu.dot_dimension_numbers<[1], [1], [0], [0], [0, 0, 1, 0], [], []>, transpose_lhs_hint = false} : vector<512x768xf32>, vector<2048x768xf32>, vector<512x2048xf32> -> vector<512x2048xf32>
    %iota3A_486 = tpu.iota {dimensions = array<i32: 0>} : vector<512x128xi32>
    %add3A_487 = arith.constant 512 : i32
    %add3A_488 = vector.broadcast %add3A_487 : i32 to vector<512x128xi32>
    %add3A_489 = arith.addi %add3A_488, %iota3A_486 : vector<512x128xi32>
    %iota3A_490 = tpu.iota {dimensions = array<i32: 1>} : vector<512x128xi32>
    %broadcast_in_dim3A_491 = arith.constant 1.000000e+10 : f32
    %broadcast_in_dim3A_492 = vector.broadcast %broadcast_in_dim3A_491 : f32 to vector<512x128xf32>
    %slice3A_493 = vector.extract_strided_slice %dot_general3A_485 {offsets = [0, 0], sizes = [512, 128], strides = [1, 1]} : vector<512x2048xf32> to vector<512x128xf32>
    %slice3A_494 = vector.extract_strided_slice %squeeze3A {offsets = [0], sizes = [128], strides = [1]} : vector<2048xf32> to vector<128xf32>
    %broadcast_in_dim3A_495 = vector.shape_cast %reduce_sum3A_483 : vector<512xf32> to vector<512x1xf32>
    %broadcast_in_dim3A_496 = vector.shape_cast %slice3A_494 : vector<128xf32> to vector<1x128xf32>
    %add3A_497 = vector.broadcast %broadcast_in_dim3A_495 : vector<512x1xf32> to vector<512x128xf32>
    %add3A_498 = vector.broadcast %broadcast_in_dim3A_496 : vector<1x128xf32> to vector<512x128xf32>
    %add3A_499 = arith.addf %add3A_497, %add3A_498 : vector<512x128xf32>
    %mul3A_500 = arith.constant 2.000000e+00 : f32
    %mul3A_501 = vector.broadcast %mul3A_500 : f32 to vector<512x128xf32>
    %mul3A_502 = arith.mulf %mul3A_501, %slice3A_493 : vector<512x128xf32>
    %sub3A_503 = arith.subf %add3A_499, %mul3A_502 : vector<512x128xf32>
    %max3A_504 = arith.constant 0.000000e+00 : f32
    %max3A_505 = vector.broadcast %max3A_504 : f32 to vector<512x128xf32>
    %max3A_506 = arith.maximumf %sub3A_503, %max3A_505 : vector<512x128xf32>
    %slice3A_507 = vector.extract_strided_slice %dot_general3A_485 {offsets = [0, 128], sizes = [512, 128], strides = [1, 1]} : vector<512x2048xf32> to vector<512x128xf32>
    %slice3A_508 = vector.extract_strided_slice %squeeze3A {offsets = [128], sizes = [128], strides = [1]} : vector<2048xf32> to vector<128xf32>
    %broadcast_in_dim3A_509 = vector.shape_cast %reduce_sum3A_483 : vector<512xf32> to vector<512x1xf32>
    %broadcast_in_dim3A_510 = vector.shape_cast %slice3A_508 : vector<128xf32> to vector<1x128xf32>
    %add3A_511 = vector.broadcast %broadcast_in_dim3A_509 : vector<512x1xf32> to vector<512x128xf32>
    %add3A_512 = vector.broadcast %broadcast_in_dim3A_510 : vector<1x128xf32> to vector<512x128xf32>
    %add3A_513 = arith.addf %add3A_511, %add3A_512 : vector<512x128xf32>
    %mul3A_514 = arith.constant 2.000000e+00 : f32
    %mul3A_515 = vector.broadcast %mul3A_514 : f32 to vector<512x128xf32>
    %mul3A_516 = arith.mulf %mul3A_515, %slice3A_507 : vector<512x128xf32>
    %sub3A_517 = arith.subf %add3A_513, %mul3A_516 : vector<512x128xf32>
    %max3A_518 = arith.constant 0.000000e+00 : f32
    %max3A_519 = vector.broadcast %max3A_518 : f32 to vector<512x128xf32>
    %max3A_520 = arith.maximumf %sub3A_517, %max3A_519 : vector<512x128xf32>
    %min3A_521 = arith.minimumf %max3A_506, %max3A_520 : vector<512x128xf32>
    %max3A_522 = arith.maximumf %max3A_506, %max3A_520 : vector<512x128xf32>
    %min3A_523 = arith.minimumf %broadcast_in_dim3A_492, %max3A_522 : vector<512x128xf32>
    %slice3A_524 = vector.extract_strided_slice %dot_general3A_485 {offsets = [0, 256], sizes = [512, 128], strides = [1, 1]} : vector<512x2048xf32> to vector<512x128xf32>
    %slice3A_525 = vector.extract_strided_slice %squeeze3A {offsets = [256], sizes = [128], strides = [1]} : vector<2048xf32> to vector<128xf32>
    %broadcast_in_dim3A_526 = vector.shape_cast %reduce_sum3A_483 : vector<512xf32> to vector<512x1xf32>
    %broadcast_in_dim3A_527 = vector.shape_cast %slice3A_525 : vector<128xf32> to vector<1x128xf32>
    %add3A_528 = vector.broadcast %broadcast_in_dim3A_526 : vector<512x1xf32> to vector<512x128xf32>
    %add3A_529 = vector.broadcast %broadcast_in_dim3A_527 : vector<1x128xf32> to vector<512x128xf32>
    %add3A_530 = arith.addf %add3A_528, %add3A_529 : vector<512x128xf32>
    %mul3A_531 = arith.constant 2.000000e+00 : f32
    %mul3A_532 = vector.broadcast %mul3A_531 : f32 to vector<512x128xf32>
    %mul3A_533 = arith.mulf %mul3A_532, %slice3A_524 : vector<512x128xf32>
    %sub3A_534 = arith.subf %add3A_530, %mul3A_533 : vector<512x128xf32>
    %max3A_535 = arith.constant 0.000000e+00 : f32
    %max3A_536 = vector.broadcast %max3A_535 : f32 to vector<512x128xf32>
    %max3A_537 = arith.maximumf %sub3A_534, %max3A_536 : vector<512x128xf32>
    %min3A_538 = arith.minimumf %min3A_521, %max3A_537 : vector<512x128xf32>
    %max3A_539 = arith.maximumf %min3A_521, %max3A_537 : vector<512x128xf32>
    %min3A_540 = arith.minimumf %min3A_523, %max3A_539 : vector<512x128xf32>
    %max3A_541 = arith.maximumf %min3A_523, %max3A_539 : vector<512x128xf32>
    %min3A_542 = arith.minimumf %broadcast_in_dim3A_492, %max3A_541 : vector<512x128xf32>
    %slice3A_543 = vector.extract_strided_slice %dot_general3A_485 {offsets = [0, 384], sizes = [512, 128], strides = [1, 1]} : vector<512x2048xf32> to vector<512x128xf32>
    %slice3A_544 = vector.extract_strided_slice %squeeze3A {offsets = [384], sizes = [128], strides = [1]} : vector<2048xf32> to vector<128xf32>
    %broadcast_in_dim3A_545 = vector.shape_cast %reduce_sum3A_483 : vector<512xf32> to vector<512x1xf32>
    %broadcast_in_dim3A_546 = vector.shape_cast %slice3A_544 : vector<128xf32> to vector<1x128xf32>
    %add3A_547 = vector.broadcast %broadcast_in_dim3A_545 : vector<512x1xf32> to vector<512x128xf32>
    %add3A_548 = vector.broadcast %broadcast_in_dim3A_546 : vector<1x128xf32> to vector<512x128xf32>
    %add3A_549 = arith.addf %add3A_547, %add3A_548 : vector<512x128xf32>
    %mul3A_550 = arith.constant 2.000000e+00 : f32
    %mul3A_551 = vector.broadcast %mul3A_550 : f32 to vector<512x128xf32>
    %mul3A_552 = arith.mulf %mul3A_551, %slice3A_543 : vector<512x128xf32>
    %sub3A_553 = arith.subf %add3A_549, %mul3A_552 : vector<512x128xf32>
    %max3A_554 = arith.constant 0.000000e+00 : f32
    %max3A_555 = vector.broadcast %max3A_554 : f32 to vector<512x128xf32>
    %max3A_556 = arith.maximumf %sub3A_553, %max3A_555 : vector<512x128xf32>
    %min3A_557 = arith.minimumf %min3A_538, %max3A_556 : vector<512x128xf32>
    %max3A_558 = arith.maximumf %min3A_538, %max3A_556 : vector<512x128xf32>
    %min3A_559 = arith.minimumf %min3A_540, %max3A_558 : vector<512x128xf32>
    %max3A_560 = arith.maximumf %min3A_540, %max3A_558 : vector<512x128xf32>
    %min3A_561 = arith.minimumf %min3A_542, %max3A_560 : vector<512x128xf32>
    %max3A_562 = arith.maximumf %min3A_542, %max3A_560 : vector<512x128xf32>
    %min3A_563 = arith.minimumf %broadcast_in_dim3A_492, %max3A_562 : vector<512x128xf32>
    %slice3A_564 = vector.extract_strided_slice %dot_general3A_485 {offsets = [0, 512], sizes = [512, 128], strides = [1, 1]} : vector<512x2048xf32> to vector<512x128xf32>
    %slice3A_565 = vector.extract_strided_slice %squeeze3A {offsets = [512], sizes = [128], strides = [1]} : vector<2048xf32> to vector<128xf32>
    %broadcast_in_dim3A_566 = vector.shape_cast %reduce_sum3A_483 : vector<512xf32> to vector<512x1xf32>
    %broadcast_in_dim3A_567 = vector.shape_cast %slice3A_565 : vector<128xf32> to vector<1x128xf32>
    %add3A_568 = vector.broadcast %broadcast_in_dim3A_566 : vector<512x1xf32> to vector<512x128xf32>
    %add3A_569 = vector.broadcast %broadcast_in_dim3A_567 : vector<1x128xf32> to vector<512x128xf32>
    %add3A_570 = arith.addf %add3A_568, %add3A_569 : vector<512x128xf32>
    %mul3A_571 = arith.constant 2.000000e+00 : f32
    %mul3A_572 = vector.broadcast %mul3A_571 : f32 to vector<512x128xf32>
    %mul3A_573 = arith.mulf %mul3A_572, %slice3A_564 : vector<512x128xf32>
    %sub3A_574 = arith.subf %add3A_570, %mul3A_573 : vector<512x128xf32>
    %max3A_575 = arith.constant 0.000000e+00 : f32
    %max3A_576 = vector.broadcast %max3A_575 : f32 to vector<512x128xf32>
    %max3A_577 = arith.maximumf %sub3A_574, %max3A_576 : vector<512x128xf32>
    %add3A_578 = arith.constant 512 : i32
    %add3A_579 = vector.broadcast %add3A_578 : i32 to vector<512x128xi32>
    %add3A_580 = arith.addi %add3A_579, %iota3A_490 : vector<512x128xi32>
    %eq3A_581 = arith.cmpi eq, %add3A_489, %add3A_580 : vector<512x128xi32>
    %jit3A_582 = arith.constant 1.000000e+10 : f32
    %broadcast_in_dim3A_583 = vector.broadcast %jit3A_582 : f32 to vector<512x128xf32>
    %select_n3A_584 = arith.select %eq3A_581, %broadcast_in_dim3A_583, %max3A_577 : vector<512x128xi1>, vector<512x128xf32>
    %min3A_585 = arith.minimumf %min3A_557, %select_n3A_584 : vector<512x128xf32>
    %max3A_586 = arith.maximumf %min3A_557, %select_n3A_584 : vector<512x128xf32>
    %min3A_587 = arith.minimumf %min3A_559, %max3A_586 : vector<512x128xf32>
    %max3A_588 = arith.maximumf %min3A_559, %max3A_586 : vector<512x128xf32>
    %min3A_589 = arith.minimumf %min3A_561, %max3A_588 : vector<512x128xf32>
    %max3A_590 = arith.maximumf %min3A_561, %max3A_588 : vector<512x128xf32>
    %min3A_591 = arith.minimumf %min3A_563, %max3A_590 : vector<512x128xf32>
    %max3A_592 = arith.maximumf %min3A_563, %max3A_590 : vector<512x128xf32>
    %min3A_593 = arith.minimumf %broadcast_in_dim3A_492, %max3A_592 : vector<512x128xf32>
    %slice3A_594 = vector.extract_strided_slice %dot_general3A_485 {offsets = [0, 640], sizes = [512, 128], strides = [1, 1]} : vector<512x2048xf32> to vector<512x128xf32>
    %slice3A_595 = vector.extract_strided_slice %squeeze3A {offsets = [640], sizes = [128], strides = [1]} : vector<2048xf32> to vector<128xf32>
    %broadcast_in_dim3A_596 = vector.shape_cast %reduce_sum3A_483 : vector<512xf32> to vector<512x1xf32>
    %broadcast_in_dim3A_597 = vector.shape_cast %slice3A_595 : vector<128xf32> to vector<1x128xf32>
    %add3A_598 = vector.broadcast %broadcast_in_dim3A_596 : vector<512x1xf32> to vector<512x128xf32>
    %add3A_599 = vector.broadcast %broadcast_in_dim3A_597 : vector<1x128xf32> to vector<512x128xf32>
    %add3A_600 = arith.addf %add3A_598, %add3A_599 : vector<512x128xf32>
    %mul3A_601 = arith.constant 2.000000e+00 : f32
    %mul3A_602 = vector.broadcast %mul3A_601 : f32 to vector<512x128xf32>
    %mul3A_603 = arith.mulf %mul3A_602, %slice3A_594 : vector<512x128xf32>
    %sub3A_604 = arith.subf %add3A_600, %mul3A_603 : vector<512x128xf32>
    %max3A_605 = arith.constant 0.000000e+00 : f32
    %max3A_606 = vector.broadcast %max3A_605 : f32 to vector<512x128xf32>
    %max3A_607 = arith.maximumf %sub3A_604, %max3A_606 : vector<512x128xf32>
    %add3A_608 = arith.constant 640 : i32
    %add3A_609 = vector.broadcast %add3A_608 : i32 to vector<512x128xi32>
    %add3A_610 = arith.addi %add3A_609, %iota3A_490 : vector<512x128xi32>
    %eq3A_611 = arith.cmpi eq, %add3A_489, %add3A_610 : vector<512x128xi32>
    %jit3A_612 = arith.constant 1.000000e+10 : f32
    %broadcast_in_dim3A_613 = vector.broadcast %jit3A_612 : f32 to vector<512x128xf32>
    %select_n3A_614 = arith.select %eq3A_611, %broadcast_in_dim3A_613, %max3A_607 : vector<512x128xi1>, vector<512x128xf32>
    %min3A_615 = arith.minimumf %min3A_585, %select_n3A_614 : vector<512x128xf32>
    %max3A_616 = arith.maximumf %min3A_585, %select_n3A_614 : vector<512x128xf32>
    %min3A_617 = arith.minimumf %min3A_587, %max3A_616 : vector<512x128xf32>
    %max3A_618 = arith.maximumf %min3A_587, %max3A_616 : vector<512x128xf32>
    %min3A_619 = arith.minimumf %min3A_589, %max3A_618 : vector<512x128xf32>
    %max3A_620 = arith.maximumf %min3A_589, %max3A_618 : vector<512x128xf32>
    %min3A_621 = arith.minimumf %min3A_591, %max3A_620 : vector<512x128xf32>
    %max3A_622 = arith.maximumf %min3A_591, %max3A_620 : vector<512x128xf32>
    %min3A_623 = arith.minimumf %min3A_593, %max3A_622 : vector<512x128xf32>
    %slice3A_624 = vector.extract_strided_slice %dot_general3A_485 {offsets = [0, 768], sizes = [512, 128], strides = [1, 1]} : vector<512x2048xf32> to vector<512x128xf32>
    %slice3A_625 = vector.extract_strided_slice %squeeze3A {offsets = [768], sizes = [128], strides = [1]} : vector<2048xf32> to vector<128xf32>
    %broadcast_in_dim3A_626 = vector.shape_cast %reduce_sum3A_483 : vector<512xf32> to vector<512x1xf32>
    %broadcast_in_dim3A_627 = vector.shape_cast %slice3A_625 : vector<128xf32> to vector<1x128xf32>
    %add3A_628 = vector.broadcast %broadcast_in_dim3A_626 : vector<512x1xf32> to vector<512x128xf32>
    %add3A_629 = vector.broadcast %broadcast_in_dim3A_627 : vector<1x128xf32> to vector<512x128xf32>
    %add3A_630 = arith.addf %add3A_628, %add3A_629 : vector<512x128xf32>
    %mul3A_631 = arith.constant 2.000000e+00 : f32
    %mul3A_632 = vector.broadcast %mul3A_631 : f32 to vector<512x128xf32>
    %mul3A_633 = arith.mulf %mul3A_632, %slice3A_624 : vector<512x128xf32>
    %sub3A_634 = arith.subf %add3A_630, %mul3A_633 : vector<512x128xf32>
    %max3A_635 = arith.constant 0.000000e+00 : f32
    %max3A_636 = vector.broadcast %max3A_635 : f32 to vector<512x128xf32>
    %max3A_637 = arith.maximumf %sub3A_634, %max3A_636 : vector<512x128xf32>
    %add3A_638 = arith.constant 768 : i32
    %add3A_639 = vector.broadcast %add3A_638 : i32 to vector<512x128xi32>
    %add3A_640 = arith.addi %add3A_639, %iota3A_490 : vector<512x128xi32>
    %eq3A_641 = arith.cmpi eq, %add3A_489, %add3A_640 : vector<512x128xi32>
    %jit3A_642 = arith.constant 1.000000e+10 : f32
    %broadcast_in_dim3A_643 = vector.broadcast %jit3A_642 : f32 to vector<512x128xf32>
    %select_n3A_644 = arith.select %eq3A_641, %broadcast_in_dim3A_643, %max3A_637 : vector<512x128xi1>, vector<512x128xf32>
    %min3A_645 = arith.minimumf %min3A_615, %select_n3A_644 : vector<512x128xf32>
    %max3A_646 = arith.maximumf %min3A_615, %select_n3A_644 : vector<512x128xf32>
    %min3A_647 = arith.minimumf %min3A_617, %max3A_646 : vector<512x128xf32>
    %max3A_648 = arith.maximumf %min3A_617, %max3A_646 : vector<512x128xf32>
    %min3A_649 = arith.minimumf %min3A_619, %max3A_648 : vector<512x128xf32>
    %max3A_650 = arith.maximumf %min3A_619, %max3A_648 : vector<512x128xf32>
    %min3A_651 = arith.minimumf %min3A_621, %max3A_650 : vector<512x128xf32>
    %max3A_652 = arith.maximumf %min3A_621, %max3A_650 : vector<512x128xf32>
    %min3A_653 = arith.minimumf %min3A_623, %max3A_652 : vector<512x128xf32>
    %slice3A_654 = vector.extract_strided_slice %dot_general3A_485 {offsets = [0, 896], sizes = [512, 128], strides = [1, 1]} : vector<512x2048xf32> to vector<512x128xf32>
    %slice3A_655 = vector.extract_strided_slice %squeeze3A {offsets = [896], sizes = [128], strides = [1]} : vector<2048xf32> to vector<128xf32>
    %broadcast_in_dim3A_656 = vector.shape_cast %reduce_sum3A_483 : vector<512xf32> to vector<512x1xf32>
    %broadcast_in_dim3A_657 = vector.shape_cast %slice3A_655 : vector<128xf32> to vector<1x128xf32>
    %add3A_658 = vector.broadcast %broadcast_in_dim3A_656 : vector<512x1xf32> to vector<512x128xf32>
    %add3A_659 = vector.broadcast %broadcast_in_dim3A_657 : vector<1x128xf32> to vector<512x128xf32>
    %add3A_660 = arith.addf %add3A_658, %add3A_659 : vector<512x128xf32>
    %mul3A_661 = arith.constant 2.000000e+00 : f32
    %mul3A_662 = vector.broadcast %mul3A_661 : f32 to vector<512x128xf32>
    %mul3A_663 = arith.mulf %mul3A_662, %slice3A_654 : vector<512x128xf32>
    %sub3A_664 = arith.subf %add3A_660, %mul3A_663 : vector<512x128xf32>
    %max3A_665 = arith.constant 0.000000e+00 : f32
    %max3A_666 = vector.broadcast %max3A_665 : f32 to vector<512x128xf32>
    %max3A_667 = arith.maximumf %sub3A_664, %max3A_666 : vector<512x128xf32>
    %add3A_668 = arith.constant 896 : i32
    %add3A_669 = vector.broadcast %add3A_668 : i32 to vector<512x128xi32>
    %add3A_670 = arith.addi %add3A_669, %iota3A_490 : vector<512x128xi32>
    %eq3A_671 = arith.cmpi eq, %add3A_489, %add3A_670 : vector<512x128xi32>
    %jit3A_672 = arith.constant 1.000000e+10 : f32
    %broadcast_in_dim3A_673 = vector.broadcast %jit3A_672 : f32 to vector<512x128xf32>
    %select_n3A_674 = arith.select %eq3A_671, %broadcast_in_dim3A_673, %max3A_667 : vector<512x128xi1>, vector<512x128xf32>
    %min3A_675 = arith.minimumf %min3A_645, %select_n3A_674 : vector<512x128xf32>
    %max3A_676 = arith.maximumf %min3A_645, %select_n3A_674 : vector<512x128xf32>
    %min3A_677 = arith.minimumf %min3A_647, %max3A_676 : vector<512x128xf32>
    %max3A_678 = arith.maximumf %min3A_647, %max3A_676 : vector<512x128xf32>
    %min3A_679 = arith.minimumf %min3A_649, %max3A_678 : vector<512x128xf32>
    %max3A_680 = arith.maximumf %min3A_649, %max3A_678 : vector<512x128xf32>
    %min3A_681 = arith.minimumf %min3A_651, %max3A_680 : vector<512x128xf32>
    %max3A_682 = arith.maximumf %min3A_651, %max3A_680 : vector<512x128xf32>
    %min3A_683 = arith.minimumf %min3A_653, %max3A_682 : vector<512x128xf32>
    %slice3A_684 = vector.extract_strided_slice %dot_general3A_485 {offsets = [0, 1024], sizes = [512, 128], strides = [1, 1]} : vector<512x2048xf32> to vector<512x128xf32>
    %slice3A_685 = vector.extract_strided_slice %squeeze3A {offsets = [1024], sizes = [128], strides = [1]} : vector<2048xf32> to vector<128xf32>
    %broadcast_in_dim3A_686 = vector.shape_cast %reduce_sum3A_483 : vector<512xf32> to vector<512x1xf32>
    %broadcast_in_dim3A_687 = vector.shape_cast %slice3A_685 : vector<128xf32> to vector<1x128xf32>
    %add3A_688 = vector.broadcast %broadcast_in_dim3A_686 : vector<512x1xf32> to vector<512x128xf32>
    %add3A_689 = vector.broadcast %broadcast_in_dim3A_687 : vector<1x128xf32> to vector<512x128xf32>
    %add3A_690 = arith.addf %add3A_688, %add3A_689 : vector<512x128xf32>
    %mul3A_691 = arith.constant 2.000000e+00 : f32
    %mul3A_692 = vector.broadcast %mul3A_691 : f32 to vector<512x128xf32>
    %mul3A_693 = arith.mulf %mul3A_692, %slice3A_684 : vector<512x128xf32>
    %sub3A_694 = arith.subf %add3A_690, %mul3A_693 : vector<512x128xf32>
    %max3A_695 = arith.constant 0.000000e+00 : f32
    %max3A_696 = vector.broadcast %max3A_695 : f32 to vector<512x128xf32>
    %max3A_697 = arith.maximumf %sub3A_694, %max3A_696 : vector<512x128xf32>
    %min3A_698 = arith.minimumf %min3A_675, %max3A_697 : vector<512x128xf32>
    %max3A_699 = arith.maximumf %min3A_675, %max3A_697 : vector<512x128xf32>
    %min3A_700 = arith.minimumf %min3A_677, %max3A_699 : vector<512x128xf32>
    %max3A_701 = arith.maximumf %min3A_677, %max3A_699 : vector<512x128xf32>
    %min3A_702 = arith.minimumf %min3A_679, %max3A_701 : vector<512x128xf32>
    %max3A_703 = arith.maximumf %min3A_679, %max3A_701 : vector<512x128xf32>
    %min3A_704 = arith.minimumf %min3A_681, %max3A_703 : vector<512x128xf32>
    %max3A_705 = arith.maximumf %min3A_681, %max3A_703 : vector<512x128xf32>
    %min3A_706 = arith.minimumf %min3A_683, %max3A_705 : vector<512x128xf32>
    %slice3A_707 = vector.extract_strided_slice %dot_general3A_485 {offsets = [0, 1152], sizes = [512, 128], strides = [1, 1]} : vector<512x2048xf32> to vector<512x128xf32>
    %slice3A_708 = vector.extract_strided_slice %squeeze3A {offsets = [1152], sizes = [128], strides = [1]} : vector<2048xf32> to vector<128xf32>
    %broadcast_in_dim3A_709 = vector.shape_cast %reduce_sum3A_483 : vector<512xf32> to vector<512x1xf32>
    %broadcast_in_dim3A_710 = vector.shape_cast %slice3A_708 : vector<128xf32> to vector<1x128xf32>
    %add3A_711 = vector.broadcast %broadcast_in_dim3A_709 : vector<512x1xf32> to vector<512x128xf32>
    %add3A_712 = vector.broadcast %broadcast_in_dim3A_710 : vector<1x128xf32> to vector<512x128xf32>
    %add3A_713 = arith.addf %add3A_711, %add3A_712 : vector<512x128xf32>
    %mul3A_714 = arith.constant 2.000000e+00 : f32
    %mul3A_715 = vector.broadcast %mul3A_714 : f32 to vector<512x128xf32>
    %mul3A_716 = arith.mulf %mul3A_715, %slice3A_707 : vector<512x128xf32>
    %sub3A_717 = arith.subf %add3A_713, %mul3A_716 : vector<512x128xf32>
    %max3A_718 = arith.constant 0.000000e+00 : f32
    %max3A_719 = vector.broadcast %max3A_718 : f32 to vector<512x128xf32>
    %max3A_720 = arith.maximumf %sub3A_717, %max3A_719 : vector<512x128xf32>
    %min3A_721 = arith.minimumf %min3A_698, %max3A_720 : vector<512x128xf32>
    %max3A_722 = arith.maximumf %min3A_698, %max3A_720 : vector<512x128xf32>
    %min3A_723 = arith.minimumf %min3A_700, %max3A_722 : vector<512x128xf32>
    %max3A_724 = arith.maximumf %min3A_700, %max3A_722 : vector<512x128xf32>
    %min3A_725 = arith.minimumf %min3A_702, %max3A_724 : vector<512x128xf32>
    %max3A_726 = arith.maximumf %min3A_702, %max3A_724 : vector<512x128xf32>
    %min3A_727 = arith.minimumf %min3A_704, %max3A_726 : vector<512x128xf32>
    %max3A_728 = arith.maximumf %min3A_704, %max3A_726 : vector<512x128xf32>
    %min3A_729 = arith.minimumf %min3A_706, %max3A_728 : vector<512x128xf32>
    %slice3A_730 = vector.extract_strided_slice %dot_general3A_485 {offsets = [0, 1280], sizes = [512, 128], strides = [1, 1]} : vector<512x2048xf32> to vector<512x128xf32>
    %slice3A_731 = vector.extract_strided_slice %squeeze3A {offsets = [1280], sizes = [128], strides = [1]} : vector<2048xf32> to vector<128xf32>
    %broadcast_in_dim3A_732 = vector.shape_cast %reduce_sum3A_483 : vector<512xf32> to vector<512x1xf32>
    %broadcast_in_dim3A_733 = vector.shape_cast %slice3A_731 : vector<128xf32> to vector<1x128xf32>
    %add3A_734 = vector.broadcast %broadcast_in_dim3A_732 : vector<512x1xf32> to vector<512x128xf32>
    %add3A_735 = vector.broadcast %broadcast_in_dim3A_733 : vector<1x128xf32> to vector<512x128xf32>
    %add3A_736 = arith.addf %add3A_734, %add3A_735 : vector<512x128xf32>
    %mul3A_737 = arith.constant 2.000000e+00 : f32
    %mul3A_738 = vector.broadcast %mul3A_737 : f32 to vector<512x128xf32>
    %mul3A_739 = arith.mulf %mul3A_738, %slice3A_730 : vector<512x128xf32>
    %sub3A_740 = arith.subf %add3A_736, %mul3A_739 : vector<512x128xf32>
    %max3A_741 = arith.constant 0.000000e+00 : f32
    %max3A_742 = vector.broadcast %max3A_741 : f32 to vector<512x128xf32>
    %max3A_743 = arith.maximumf %sub3A_740, %max3A_742 : vector<512x128xf32>
    %min3A_744 = arith.minimumf %min3A_721, %max3A_743 : vector<512x128xf32>
    %max3A_745 = arith.maximumf %min3A_721, %max3A_743 : vector<512x128xf32>
    %min3A_746 = arith.minimumf %min3A_723, %max3A_745 : vector<512x128xf32>
    %max3A_747 = arith.maximumf %min3A_723, %max3A_745 : vector<512x128xf32>
    %min3A_748 = arith.minimumf %min3A_725, %max3A_747 : vector<512x128xf32>
    %max3A_749 = arith.maximumf %min3A_725, %max3A_747 : vector<512x128xf32>
    %min3A_750 = arith.minimumf %min3A_727, %max3A_749 : vector<512x128xf32>
    %max3A_751 = arith.maximumf %min3A_727, %max3A_749 : vector<512x128xf32>
    %min3A_752 = arith.minimumf %min3A_729, %max3A_751 : vector<512x128xf32>
    %slice3A_753 = vector.extract_strided_slice %dot_general3A_485 {offsets = [0, 1408], sizes = [512, 128], strides = [1, 1]} : vector<512x2048xf32> to vector<512x128xf32>
    %slice3A_754 = vector.extract_strided_slice %squeeze3A {offsets = [1408], sizes = [128], strides = [1]} : vector<2048xf32> to vector<128xf32>
    %broadcast_in_dim3A_755 = vector.shape_cast %reduce_sum3A_483 : vector<512xf32> to vector<512x1xf32>
    %broadcast_in_dim3A_756 = vector.shape_cast %slice3A_754 : vector<128xf32> to vector<1x128xf32>
    %add3A_757 = vector.broadcast %broadcast_in_dim3A_755 : vector<512x1xf32> to vector<512x128xf32>
    %add3A_758 = vector.broadcast %broadcast_in_dim3A_756 : vector<1x128xf32> to vector<512x128xf32>
    %add3A_759 = arith.addf %add3A_757, %add3A_758 : vector<512x128xf32>
    %mul3A_760 = arith.constant 2.000000e+00 : f32
    %mul3A_761 = vector.broadcast %mul3A_760 : f32 to vector<512x128xf32>
    %mul3A_762 = arith.mulf %mul3A_761, %slice3A_753 : vector<512x128xf32>
    %sub3A_763 = arith.subf %add3A_759, %mul3A_762 : vector<512x128xf32>
    %max3A_764 = arith.constant 0.000000e+00 : f32
    %max3A_765 = vector.broadcast %max3A_764 : f32 to vector<512x128xf32>
    %max3A_766 = arith.maximumf %sub3A_763, %max3A_765 : vector<512x128xf32>
    %min3A_767 = arith.minimumf %min3A_744, %max3A_766 : vector<512x128xf32>
    %max3A_768 = arith.maximumf %min3A_744, %max3A_766 : vector<512x128xf32>
    %min3A_769 = arith.minimumf %min3A_746, %max3A_768 : vector<512x128xf32>
    %max3A_770 = arith.maximumf %min3A_746, %max3A_768 : vector<512x128xf32>
    %min3A_771 = arith.minimumf %min3A_748, %max3A_770 : vector<512x128xf32>
    %max3A_772 = arith.maximumf %min3A_748, %max3A_770 : vector<512x128xf32>
    %min3A_773 = arith.minimumf %min3A_750, %max3A_772 : vector<512x128xf32>
    %max3A_774 = arith.maximumf %min3A_750, %max3A_772 : vector<512x128xf32>
    %min3A_775 = arith.minimumf %min3A_752, %max3A_774 : vector<512x128xf32>
    %slice3A_776 = vector.extract_strided_slice %dot_general3A_485 {offsets = [0, 1536], sizes = [512, 128], strides = [1, 1]} : vector<512x2048xf32> to vector<512x128xf32>
    %slice3A_777 = vector.extract_strided_slice %squeeze3A {offsets = [1536], sizes = [128], strides = [1]} : vector<2048xf32> to vector<128xf32>
    %broadcast_in_dim3A_778 = vector.shape_cast %reduce_sum3A_483 : vector<512xf32> to vector<512x1xf32>
    %broadcast_in_dim3A_779 = vector.shape_cast %slice3A_777 : vector<128xf32> to vector<1x128xf32>
    %add3A_780 = vector.broadcast %broadcast_in_dim3A_778 : vector<512x1xf32> to vector<512x128xf32>
    %add3A_781 = vector.broadcast %broadcast_in_dim3A_779 : vector<1x128xf32> to vector<512x128xf32>
    %add3A_782 = arith.addf %add3A_780, %add3A_781 : vector<512x128xf32>
    %mul3A_783 = arith.constant 2.000000e+00 : f32
    %mul3A_784 = vector.broadcast %mul3A_783 : f32 to vector<512x128xf32>
    %mul3A_785 = arith.mulf %mul3A_784, %slice3A_776 : vector<512x128xf32>
    %sub3A_786 = arith.subf %add3A_782, %mul3A_785 : vector<512x128xf32>
    %max3A_787 = arith.constant 0.000000e+00 : f32
    %max3A_788 = vector.broadcast %max3A_787 : f32 to vector<512x128xf32>
    %max3A_789 = arith.maximumf %sub3A_786, %max3A_788 : vector<512x128xf32>
    %min3A_790 = arith.minimumf %min3A_767, %max3A_789 : vector<512x128xf32>
    %max3A_791 = arith.maximumf %min3A_767, %max3A_789 : vector<512x128xf32>
    %min3A_792 = arith.minimumf %min3A_769, %max3A_791 : vector<512x128xf32>
    %max3A_793 = arith.maximumf %min3A_769, %max3A_791 : vector<512x128xf32>
    %min3A_794 = arith.minimumf %min3A_771, %max3A_793 : vector<512x128xf32>
    %max3A_795 = arith.maximumf %min3A_771, %max3A_793 : vector<512x128xf32>
    %min3A_796 = arith.minimumf %min3A_773, %max3A_795 : vector<512x128xf32>
    %max3A_797 = arith.maximumf %min3A_773, %max3A_795 : vector<512x128xf32>
    %min3A_798 = arith.minimumf %min3A_775, %max3A_797 : vector<512x128xf32>
    %slice3A_799 = vector.extract_strided_slice %dot_general3A_485 {offsets = [0, 1664], sizes = [512, 128], strides = [1, 1]} : vector<512x2048xf32> to vector<512x128xf32>
    %slice3A_800 = vector.extract_strided_slice %squeeze3A {offsets = [1664], sizes = [128], strides = [1]} : vector<2048xf32> to vector<128xf32>
    %broadcast_in_dim3A_801 = vector.shape_cast %reduce_sum3A_483 : vector<512xf32> to vector<512x1xf32>
    %broadcast_in_dim3A_802 = vector.shape_cast %slice3A_800 : vector<128xf32> to vector<1x128xf32>
    %add3A_803 = vector.broadcast %broadcast_in_dim3A_801 : vector<512x1xf32> to vector<512x128xf32>
    %add3A_804 = vector.broadcast %broadcast_in_dim3A_802 : vector<1x128xf32> to vector<512x128xf32>
    %add3A_805 = arith.addf %add3A_803, %add3A_804 : vector<512x128xf32>
    %mul3A_806 = arith.constant 2.000000e+00 : f32
    %mul3A_807 = vector.broadcast %mul3A_806 : f32 to vector<512x128xf32>
    %mul3A_808 = arith.mulf %mul3A_807, %slice3A_799 : vector<512x128xf32>
    %sub3A_809 = arith.subf %add3A_805, %mul3A_808 : vector<512x128xf32>
    %max3A_810 = arith.constant 0.000000e+00 : f32
    %max3A_811 = vector.broadcast %max3A_810 : f32 to vector<512x128xf32>
    %max3A_812 = arith.maximumf %sub3A_809, %max3A_811 : vector<512x128xf32>
    %min3A_813 = arith.minimumf %min3A_790, %max3A_812 : vector<512x128xf32>
    %max3A_814 = arith.maximumf %min3A_790, %max3A_812 : vector<512x128xf32>
    %min3A_815 = arith.minimumf %min3A_792, %max3A_814 : vector<512x128xf32>
    %max3A_816 = arith.maximumf %min3A_792, %max3A_814 : vector<512x128xf32>
    %min3A_817 = arith.minimumf %min3A_794, %max3A_816 : vector<512x128xf32>
    %max3A_818 = arith.maximumf %min3A_794, %max3A_816 : vector<512x128xf32>
    %min3A_819 = arith.minimumf %min3A_796, %max3A_818 : vector<512x128xf32>
    %max3A_820 = arith.maximumf %min3A_796, %max3A_818 : vector<512x128xf32>
    %min3A_821 = arith.minimumf %min3A_798, %max3A_820 : vector<512x128xf32>
    %slice3A_822 = vector.extract_strided_slice %dot_general3A_485 {offsets = [0, 1792], sizes = [512, 128], strides = [1, 1]} : vector<512x2048xf32> to vector<512x128xf32>
    %slice3A_823 = vector.extract_strided_slice %squeeze3A {offsets = [1792], sizes = [128], strides = [1]} : vector<2048xf32> to vector<128xf32>
    %broadcast_in_dim3A_824 = vector.shape_cast %reduce_sum3A_483 : vector<512xf32> to vector<512x1xf32>
    %broadcast_in_dim3A_825 = vector.shape_cast %slice3A_823 : vector<128xf32> to vector<1x128xf32>
    %add3A_826 = vector.broadcast %broadcast_in_dim3A_824 : vector<512x1xf32> to vector<512x128xf32>
    %add3A_827 = vector.broadcast %broadcast_in_dim3A_825 : vector<1x128xf32> to vector<512x128xf32>
    %add3A_828 = arith.addf %add3A_826, %add3A_827 : vector<512x128xf32>
    %mul3A_829 = arith.constant 2.000000e+00 : f32
    %mul3A_830 = vector.broadcast %mul3A_829 : f32 to vector<512x128xf32>
    %mul3A_831 = arith.mulf %mul3A_830, %slice3A_822 : vector<512x128xf32>
    %sub3A_832 = arith.subf %add3A_828, %mul3A_831 : vector<512x128xf32>
    %max3A_833 = arith.constant 0.000000e+00 : f32
    %max3A_834 = vector.broadcast %max3A_833 : f32 to vector<512x128xf32>
    %max3A_835 = arith.maximumf %sub3A_832, %max3A_834 : vector<512x128xf32>
    %min3A_836 = arith.minimumf %min3A_813, %max3A_835 : vector<512x128xf32>
    %max3A_837 = arith.maximumf %min3A_813, %max3A_835 : vector<512x128xf32>
    %min3A_838 = arith.minimumf %min3A_815, %max3A_837 : vector<512x128xf32>
    %max3A_839 = arith.maximumf %min3A_815, %max3A_837 : vector<512x128xf32>
    %min3A_840 = arith.minimumf %min3A_817, %max3A_839 : vector<512x128xf32>
    %max3A_841 = arith.maximumf %min3A_817, %max3A_839 : vector<512x128xf32>
    %min3A_842 = arith.minimumf %min3A_819, %max3A_841 : vector<512x128xf32>
    %max3A_843 = arith.maximumf %min3A_819, %max3A_841 : vector<512x128xf32>
    %min3A_844 = arith.minimumf %min3A_821, %max3A_843 : vector<512x128xf32>
    %slice3A_845 = vector.extract_strided_slice %dot_general3A_485 {offsets = [0, 1920], sizes = [512, 128], strides = [1, 1]} : vector<512x2048xf32> to vector<512x128xf32>
    %slice3A_846 = vector.extract_strided_slice %squeeze3A {offsets = [1920], sizes = [128], strides = [1]} : vector<2048xf32> to vector<128xf32>
    %broadcast_in_dim3A_847 = vector.shape_cast %reduce_sum3A_483 : vector<512xf32> to vector<512x1xf32>
    %broadcast_in_dim3A_848 = vector.shape_cast %slice3A_846 : vector<128xf32> to vector<1x128xf32>
    %add3A_849 = vector.broadcast %broadcast_in_dim3A_847 : vector<512x1xf32> to vector<512x128xf32>
    %add3A_850 = vector.broadcast %broadcast_in_dim3A_848 : vector<1x128xf32> to vector<512x128xf32>
    %add3A_851 = arith.addf %add3A_849, %add3A_850 : vector<512x128xf32>
    %mul3A_852 = arith.constant 2.000000e+00 : f32
    %mul3A_853 = vector.broadcast %mul3A_852 : f32 to vector<512x128xf32>
    %mul3A_854 = arith.mulf %mul3A_853, %slice3A_845 : vector<512x128xf32>
    %sub3A_855 = arith.subf %add3A_851, %mul3A_854 : vector<512x128xf32>
    %max3A_856 = arith.constant 0.000000e+00 : f32
    %max3A_857 = vector.broadcast %max3A_856 : f32 to vector<512x128xf32>
    %max3A_858 = arith.maximumf %sub3A_855, %max3A_857 : vector<512x128xf32>
    %min3A_859 = arith.minimumf %min3A_836, %max3A_858 : vector<512x128xf32>
    %max3A_860 = arith.maximumf %min3A_836, %max3A_858 : vector<512x128xf32>
    %min3A_861 = arith.minimumf %min3A_838, %max3A_860 : vector<512x128xf32>
    %max3A_862 = arith.maximumf %min3A_838, %max3A_860 : vector<512x128xf32>
    %min3A_863 = arith.minimumf %min3A_840, %max3A_862 : vector<512x128xf32>
    %max3A_864 = arith.maximumf %min3A_840, %max3A_862 : vector<512x128xf32>
    %min3A_865 = arith.minimumf %min3A_842, %max3A_864 : vector<512x128xf32>
    %max3A_866 = arith.maximumf %min3A_842, %max3A_864 : vector<512x128xf32>
    %min3A_867 = arith.minimumf %min3A_844, %max3A_866 : vector<512x128xf32>
    %iota3A_868 = tpu.iota {dimensions = array<i32: 1>} : vector<512x128xi32>
    %broadcast_in_dim3A_869 = arith.constant 0.000000e+00 : f32
    %broadcast_in_dim3A_870 = vector.broadcast %broadcast_in_dim3A_869 : f32 to vector<512xf32>
    %reduce_min3A_871 = arith.constant dense<0x7F800000> : vector<512xf32>
    %reduce_min3A_872 = vector.multi_reduction <minimumf>, %min3A_859, %reduce_min3A_871 [1] : vector<512x128xf32> to vector<512xf32>
    %max3A_873 = arith.constant 9.99999996E-13 : f32
    %max3A_874 = vector.broadcast %max3A_873 : f32 to vector<512xf32>
    %max3A_875 = arith.maximumf %reduce_min3A_872, %max3A_874 : vector<512xf32>
    %sqrt3A_876 = math.sqrt %max3A_875 : vector<512xf32>
    %add3A_877 = arith.addf %broadcast_in_dim3A_870, %sqrt3A_876 : vector<512xf32>
    %broadcast_in_dim3A_878 = vector.shape_cast %reduce_min3A_872 : vector<512xf32> to vector<512x1xf32>
    %eq3A_879 = vector.broadcast %broadcast_in_dim3A_878 : vector<512x1xf32> to vector<512x128xf32>
    %eq3A_880 = arith.cmpf oeq, %min3A_859, %eq3A_879 : vector<512x128xf32>
    %jit3A_881 = arith.constant 128 : i32
    %broadcast_in_dim3A_882 = vector.broadcast %jit3A_881 : i32 to vector<512x128xi32>
    %select_n3A_883 = arith.select %eq3A_880, %iota3A_868, %broadcast_in_dim3A_882 : vector<512x128xi1>, vector<512x128xi32>
    %reduce_min3A_884 = arith.constant dense<2147483647> : vector<512xi32>
    %reduce_min3A_885 = vector.multi_reduction <minsi>, %select_n3A_883, %reduce_min3A_884 [1] : vector<512x128xi32> to vector<512xi32>
    %broadcast_in_dim3A_886 = vector.shape_cast %reduce_min3A_885 : vector<512xi32> to vector<512x1xi32>
    %eq3A_887 = vector.broadcast %broadcast_in_dim3A_886 : vector<512x1xi32> to vector<512x128xi32>
    %eq3A_888 = arith.cmpi eq, %iota3A_868, %eq3A_887 : vector<512x128xi32>
    %select_n3A_889 = arith.select %eq3A_888, %min3A_861, %min3A_859 : vector<512x128xi1>, vector<512x128xf32>
    %select_n3A_890 = arith.select %eq3A_888, %min3A_863, %min3A_861 : vector<512x128xi1>, vector<512x128xf32>
    %select_n3A_891 = arith.select %eq3A_888, %min3A_865, %min3A_863 : vector<512x128xi1>, vector<512x128xf32>
    %select_n3A_892 = arith.select %eq3A_888, %min3A_867, %min3A_865 : vector<512x128xi1>, vector<512x128xf32>
    %reduce_min3A_893 = arith.constant dense<0x7F800000> : vector<512xf32>
    %reduce_min3A_894 = vector.multi_reduction <minimumf>, %select_n3A_889, %reduce_min3A_893 [1] : vector<512x128xf32> to vector<512xf32>
    %max3A_895 = arith.constant 9.99999996E-13 : f32
    %max3A_896 = vector.broadcast %max3A_895 : f32 to vector<512xf32>
    %max3A_897 = arith.maximumf %reduce_min3A_894, %max3A_896 : vector<512xf32>
    %sqrt3A_898 = math.sqrt %max3A_897 : vector<512xf32>
    %add3A_899 = arith.addf %add3A_877, %sqrt3A_898 : vector<512xf32>
    %broadcast_in_dim3A_900 = vector.shape_cast %reduce_min3A_894 : vector<512xf32> to vector<512x1xf32>
    %eq3A_901 = vector.broadcast %broadcast_in_dim3A_900 : vector<512x1xf32> to vector<512x128xf32>
    %eq3A_902 = arith.cmpf oeq, %select_n3A_889, %eq3A_901 : vector<512x128xf32>
    %jit3A_903 = arith.constant 128 : i32
    %broadcast_in_dim3A_904 = vector.broadcast %jit3A_903 : i32 to vector<512x128xi32>
    %select_n3A_905 = arith.select %eq3A_902, %iota3A_868, %broadcast_in_dim3A_904 : vector<512x128xi1>, vector<512x128xi32>
    %reduce_min3A_906 = arith.constant dense<2147483647> : vector<512xi32>
    %reduce_min3A_907 = vector.multi_reduction <minsi>, %select_n3A_905, %reduce_min3A_906 [1] : vector<512x128xi32> to vector<512xi32>
    %broadcast_in_dim3A_908 = vector.shape_cast %reduce_min3A_907 : vector<512xi32> to vector<512x1xi32>
    %eq3A_909 = vector.broadcast %broadcast_in_dim3A_908 : vector<512x1xi32> to vector<512x128xi32>
    %eq3A_910 = arith.cmpi eq, %iota3A_868, %eq3A_909 : vector<512x128xi32>
    %select_n3A_911 = arith.select %eq3A_910, %select_n3A_890, %select_n3A_889 : vector<512x128xi1>, vector<512x128xf32>
    %select_n3A_912 = arith.select %eq3A_910, %select_n3A_891, %select_n3A_890 : vector<512x128xi1>, vector<512x128xf32>
    %select_n3A_913 = arith.select %eq3A_910, %select_n3A_892, %select_n3A_891 : vector<512x128xi1>, vector<512x128xf32>
    %reduce_min3A_914 = arith.constant dense<0x7F800000> : vector<512xf32>
    %reduce_min3A_915 = vector.multi_reduction <minimumf>, %select_n3A_911, %reduce_min3A_914 [1] : vector<512x128xf32> to vector<512xf32>
    %max3A_916 = arith.constant 9.99999996E-13 : f32
    %max3A_917 = vector.broadcast %max3A_916 : f32 to vector<512xf32>
    %max3A_918 = arith.maximumf %reduce_min3A_915, %max3A_917 : vector<512xf32>
    %sqrt3A_919 = math.sqrt %max3A_918 : vector<512xf32>
    %add3A_920 = arith.addf %add3A_899, %sqrt3A_919 : vector<512xf32>
    %broadcast_in_dim3A_921 = vector.shape_cast %reduce_min3A_915 : vector<512xf32> to vector<512x1xf32>
    %eq3A_922 = vector.broadcast %broadcast_in_dim3A_921 : vector<512x1xf32> to vector<512x128xf32>
    %eq3A_923 = arith.cmpf oeq, %select_n3A_911, %eq3A_922 : vector<512x128xf32>
    %jit3A_924 = arith.constant 128 : i32
    %broadcast_in_dim3A_925 = vector.broadcast %jit3A_924 : i32 to vector<512x128xi32>
    %select_n3A_926 = arith.select %eq3A_923, %iota3A_868, %broadcast_in_dim3A_925 : vector<512x128xi1>, vector<512x128xi32>
    %reduce_min3A_927 = arith.constant dense<2147483647> : vector<512xi32>
    %reduce_min3A_928 = vector.multi_reduction <minsi>, %select_n3A_926, %reduce_min3A_927 [1] : vector<512x128xi32> to vector<512xi32>
    %broadcast_in_dim3A_929 = vector.shape_cast %reduce_min3A_928 : vector<512xi32> to vector<512x1xi32>
    %eq3A_930 = vector.broadcast %broadcast_in_dim3A_929 : vector<512x1xi32> to vector<512x128xi32>
    %eq3A_931 = arith.cmpi eq, %iota3A_868, %eq3A_930 : vector<512x128xi32>
    %select_n3A_932 = arith.select %eq3A_931, %select_n3A_912, %select_n3A_911 : vector<512x128xi1>, vector<512x128xf32>
    %select_n3A_933 = arith.select %eq3A_931, %select_n3A_913, %select_n3A_912 : vector<512x128xi1>, vector<512x128xf32>
    %reduce_min3A_934 = arith.constant dense<0x7F800000> : vector<512xf32>
    %reduce_min3A_935 = vector.multi_reduction <minimumf>, %select_n3A_932, %reduce_min3A_934 [1] : vector<512x128xf32> to vector<512xf32>
    %max3A_936 = arith.constant 9.99999996E-13 : f32
    %max3A_937 = vector.broadcast %max3A_936 : f32 to vector<512xf32>
    %max3A_938 = arith.maximumf %reduce_min3A_935, %max3A_937 : vector<512xf32>
    %sqrt3A_939 = math.sqrt %max3A_938 : vector<512xf32>
    %add3A_940 = arith.addf %add3A_920, %sqrt3A_939 : vector<512xf32>
    %broadcast_in_dim3A_941 = vector.shape_cast %reduce_min3A_935 : vector<512xf32> to vector<512x1xf32>
    %eq3A_942 = vector.broadcast %broadcast_in_dim3A_941 : vector<512x1xf32> to vector<512x128xf32>
    %eq3A_943 = arith.cmpf oeq, %select_n3A_932, %eq3A_942 : vector<512x128xf32>
    %jit3A_944 = arith.constant 128 : i32
    %broadcast_in_dim3A_945 = vector.broadcast %jit3A_944 : i32 to vector<512x128xi32>
    %select_n3A_946 = arith.select %eq3A_943, %iota3A_868, %broadcast_in_dim3A_945 : vector<512x128xi1>, vector<512x128xi32>
    %reduce_min3A_947 = arith.constant dense<2147483647> : vector<512xi32>
    %reduce_min3A_948 = vector.multi_reduction <minsi>, %select_n3A_946, %reduce_min3A_947 [1] : vector<512x128xi32> to vector<512xi32>
    %broadcast_in_dim3A_949 = vector.shape_cast %reduce_min3A_948 : vector<512xi32> to vector<512x1xi32>
    %eq3A_950 = vector.broadcast %broadcast_in_dim3A_949 : vector<512x1xi32> to vector<512x128xi32>
    %eq3A_951 = arith.cmpi eq, %iota3A_868, %eq3A_950 : vector<512x128xi32>
    %select_n3A_952 = arith.select %eq3A_951, %select_n3A_933, %select_n3A_932 : vector<512x128xi1>, vector<512x128xf32>
    %reduce_min3A_953 = arith.constant dense<0x7F800000> : vector<512xf32>
    %reduce_min3A_954 = vector.multi_reduction <minimumf>, %select_n3A_952, %reduce_min3A_953 [1] : vector<512x128xf32> to vector<512xf32>
    %max3A_955 = arith.constant 9.99999996E-13 : f32
    %max3A_956 = vector.broadcast %max3A_955 : f32 to vector<512xf32>
    %max3A_957 = arith.maximumf %reduce_min3A_954, %max3A_956 : vector<512xf32>
    %sqrt3A_958 = math.sqrt %max3A_957 : vector<512xf32>
    %add3A_959 = arith.addf %add3A_940, %sqrt3A_958 : vector<512xf32>
    %div3A_960 = arith.constant 5.000000e+00 : f32
    %div3A_961 = vector.broadcast %div3A_960 : f32 to vector<512xf32>
    %div3A_962 = arith.divf %add3A_959, %div3A_961 : vector<512xf32>
    %swap3A_963 = arith.constant 0 : index
    %swap3A_964 = arith.constant 0 : index
    %swap3A_965 = arith.constant 512 : index
    %swap3A_966 = vector.load %arg2[%swap3A_963, %swap3A_964, %swap3A_965] : memref<1x1x2048xf32, #tpu.memory_space<vmem>>, vector<1x1x512xf32>
    %swap3A_967 = vector.shape_cast %swap3A_966 : vector<1x1x512xf32> to vector<512xf32>
    %swap3A_968 = vector.shape_cast %div3A_962 : vector<512xf32> to vector<1x1x512xf32>
    tpu.vector_store %arg2[%swap3A_963, %swap3A_964, %swap3A_965], %swap3A_968 {strides = array<i32>} : memref<1x1x2048xf32, #tpu.memory_space<vmem>>, vector<1x1x512xf32>,
    %slice3A_969 = vector.extract_strided_slice %get3A_3 {offsets = [1024, 0], sizes = [512, 768], strides = [1, 1]} : vector<2048x768xf32> to vector<512x768xf32>
    %mul3A_970 = arith.mulf %slice3A_969, %slice3A_969 : vector<512x768xf32>
    %reduce_sum3A_971 = arith.constant dense<0.000000e+00> : vector<512xf32>
    %reduce_sum3A_972 = vector.multi_reduction <add>, %mul3A_970, %reduce_sum3A_971 [1] : vector<512x768xf32> to vector<512xf32>
    %dot_general3A_973 = arith.constant dense<0.000000e+00> : vector<512x2048xf32>
    %dot_general3A_974 = tpu.matmul %slice3A_969, %get3A_3, %dot_general3A_973 {dimension_numbers = #tpu.dot_dimension_numbers<[1], [1], [0], [0], [0, 0, 1, 0], [], []>, transpose_lhs_hint = false} : vector<512x768xf32>, vector<2048x768xf32>, vector<512x2048xf32> -> vector<512x2048xf32>
    %iota3A_975 = tpu.iota {dimensions = array<i32: 0>} : vector<512x128xi32>
    %add3A_976 = arith.constant 1024 : i32
    %add3A_977 = vector.broadcast %add3A_976 : i32 to vector<512x128xi32>
    %add3A_978 = arith.addi %add3A_977, %iota3A_975 : vector<512x128xi32>
    %iota3A_979 = tpu.iota {dimensions = array<i32: 1>} : vector<512x128xi32>
    %broadcast_in_dim3A_980 = arith.constant 1.000000e+10 : f32
    %broadcast_in_dim3A_981 = vector.broadcast %broadcast_in_dim3A_980 : f32 to vector<512x128xf32>
    %slice3A_982 = vector.extract_strided_slice %dot_general3A_974 {offsets = [0, 0], sizes = [512, 128], strides = [1, 1]} : vector<512x2048xf32> to vector<512x128xf32>
    %slice3A_983 = vector.extract_strided_slice %squeeze3A {offsets = [0], sizes = [128], strides = [1]} : vector<2048xf32> to vector<128xf32>
    %broadcast_in_dim3A_984 = vector.shape_cast %reduce_sum3A_972 : vector<512xf32> to vector<512x1xf32>
    %broadcast_in_dim3A_985 = vector.shape_cast %slice3A_983 : vector<128xf32> to vector<1x128xf32>
    %add3A_986 = vector.broadcast %broadcast_in_dim3A_984 : vector<512x1xf32> to vector<512x128xf32>
    %add3A_987 = vector.broadcast %broadcast_in_dim3A_985 : vector<1x128xf32> to vector<512x128xf32>
    %add3A_988 = arith.addf %add3A_986, %add3A_987 : vector<512x128xf32>
    %mul3A_989 = arith.constant 2.000000e+00 : f32
    %mul3A_990 = vector.broadcast %mul3A_989 : f32 to vector<512x128xf32>
    %mul3A_991 = arith.mulf %mul3A_990, %slice3A_982 : vector<512x128xf32>
    %sub3A_992 = arith.subf %add3A_988, %mul3A_991 : vector<512x128xf32>
    %max3A_993 = arith.constant 0.000000e+00 : f32
    %max3A_994 = vector.broadcast %max3A_993 : f32 to vector<512x128xf32>
    %max3A_995 = arith.maximumf %sub3A_992, %max3A_994 : vector<512x128xf32>
    %slice3A_996 = vector.extract_strided_slice %dot_general3A_974 {offsets = [0, 128], sizes = [512, 128], strides = [1, 1]} : vector<512x2048xf32> to vector<512x128xf32>
    %slice3A_997 = vector.extract_strided_slice %squeeze3A {offsets = [128], sizes = [128], strides = [1]} : vector<2048xf32> to vector<128xf32>
    %broadcast_in_dim3A_998 = vector.shape_cast %reduce_sum3A_972 : vector<512xf32> to vector<512x1xf32>
    %broadcast_in_dim3A_999 = vector.shape_cast %slice3A_997 : vector<128xf32> to vector<1x128xf32>
    %add3A_1000 = vector.broadcast %broadcast_in_dim3A_998 : vector<512x1xf32> to vector<512x128xf32>
    %add3A_1001 = vector.broadcast %broadcast_in_dim3A_999 : vector<1x128xf32> to vector<512x128xf32>
    %add3A_1002 = arith.addf %add3A_1000, %add3A_1001 : vector<512x128xf32>
    %mul3A_1003 = arith.constant 2.000000e+00 : f32
    %mul3A_1004 = vector.broadcast %mul3A_1003 : f32 to vector<512x128xf32>
    %mul3A_1005 = arith.mulf %mul3A_1004, %slice3A_996 : vector<512x128xf32>
    %sub3A_1006 = arith.subf %add3A_1002, %mul3A_1005 : vector<512x128xf32>
    %max3A_1007 = arith.constant 0.000000e+00 : f32
    %max3A_1008 = vector.broadcast %max3A_1007 : f32 to vector<512x128xf32>
    %max3A_1009 = arith.maximumf %sub3A_1006, %max3A_1008 : vector<512x128xf32>
    %min3A_1010 = arith.minimumf %max3A_995, %max3A_1009 : vector<512x128xf32>
    %max3A_1011 = arith.maximumf %max3A_995, %max3A_1009 : vector<512x128xf32>
    %min3A_1012 = arith.minimumf %broadcast_in_dim3A_981, %max3A_1011 : vector<512x128xf32>
    %slice3A_1013 = vector.extract_strided_slice %dot_general3A_974 {offsets = [0, 256], sizes = [512, 128], strides = [1, 1]} : vector<512x2048xf32> to vector<512x128xf32>
    %slice3A_1014 = vector.extract_strided_slice %squeeze3A {offsets = [256], sizes = [128], strides = [1]} : vector<2048xf32> to vector<128xf32>
    %broadcast_in_dim3A_1015 = vector.shape_cast %reduce_sum3A_972 : vector<512xf32> to vector<512x1xf32>
    %broadcast_in_dim3A_1016 = vector.shape_cast %slice3A_1014 : vector<128xf32> to vector<1x128xf32>
    %add3A_1017 = vector.broadcast %broadcast_in_dim3A_1015 : vector<512x1xf32> to vector<512x128xf32>
    %add3A_1018 = vector.broadcast %broadcast_in_dim3A_1016 : vector<1x128xf32> to vector<512x128xf32>
    %add3A_1019 = arith.addf %add3A_1017, %add3A_1018 : vector<512x128xf32>
    %mul3A_1020 = arith.constant 2.000000e+00 : f32
    %mul3A_1021 = vector.broadcast %mul3A_1020 : f32 to vector<512x128xf32>
    %mul3A_1022 = arith.mulf %mul3A_1021, %slice3A_1013 : vector<512x128xf32>
    %sub3A_1023 = arith.subf %add3A_1019, %mul3A_1022 : vector<512x128xf32>
    %max3A_1024 = arith.constant 0.000000e+00 : f32
    %max3A_1025 = vector.broadcast %max3A_1024 : f32 to vector<512x128xf32>
    %max3A_1026 = arith.maximumf %sub3A_1023, %max3A_1025 : vector<512x128xf32>
    %min3A_1027 = arith.minimumf %min3A_1010, %max3A_1026 : vector<512x128xf32>
    %max3A_1028 = arith.maximumf %min3A_1010, %max3A_1026 : vector<512x128xf32>
    %min3A_1029 = arith.minimumf %min3A_1012, %max3A_1028 : vector<512x128xf32>
    %max3A_1030 = arith.maximumf %min3A_1012, %max3A_1028 : vector<512x128xf32>
    %min3A_1031 = arith.minimumf %broadcast_in_dim3A_981, %max3A_1030 : vector<512x128xf32>
    %slice3A_1032 = vector.extract_strided_slice %dot_general3A_974 {offsets = [0, 384], sizes = [512, 128], strides = [1, 1]} : vector<512x2048xf32> to vector<512x128xf32>
    %slice3A_1033 = vector.extract_strided_slice %squeeze3A {offsets = [384], sizes = [128], strides = [1]} : vector<2048xf32> to vector<128xf32>
    %broadcast_in_dim3A_1034 = vector.shape_cast %reduce_sum3A_972 : vector<512xf32> to vector<512x1xf32>
    %broadcast_in_dim3A_1035 = vector.shape_cast %slice3A_1033 : vector<128xf32> to vector<1x128xf32>
    %add3A_1036 = vector.broadcast %broadcast_in_dim3A_1034 : vector<512x1xf32> to vector<512x128xf32>
    %add3A_1037 = vector.broadcast %broadcast_in_dim3A_1035 : vector<1x128xf32> to vector<512x128xf32>
    %add3A_1038 = arith.addf %add3A_1036, %add3A_1037 : vector<512x128xf32>
    %mul3A_1039 = arith.constant 2.000000e+00 : f32
    %mul3A_1040 = vector.broadcast %mul3A_1039 : f32 to vector<512x128xf32>
    %mul3A_1041 = arith.mulf %mul3A_1040, %slice3A_1032 : vector<512x128xf32>
    %sub3A_1042 = arith.subf %add3A_1038, %mul3A_1041 : vector<512x128xf32>
    %max3A_1043 = arith.constant 0.000000e+00 : f32
    %max3A_1044 = vector.broadcast %max3A_1043 : f32 to vector<512x128xf32>
    %max3A_1045 = arith.maximumf %sub3A_1042, %max3A_1044 : vector<512x128xf32>
    %min3A_1046 = arith.minimumf %min3A_1027, %max3A_1045 : vector<512x128xf32>
    %max3A_1047 = arith.maximumf %min3A_1027, %max3A_1045 : vector<512x128xf32>
    %min3A_1048 = arith.minimumf %min3A_1029, %max3A_1047 : vector<512x128xf32>
    %max3A_1049 = arith.maximumf %min3A_1029, %max3A_1047 : vector<512x128xf32>
    %min3A_1050 = arith.minimumf %min3A_1031, %max3A_1049 : vector<512x128xf32>
    %max3A_1051 = arith.maximumf %min3A_1031, %max3A_1049 : vector<512x128xf32>
    %min3A_1052 = arith.minimumf %broadcast_in_dim3A_981, %max3A_1051 : vector<512x128xf32>
    %slice3A_1053 = vector.extract_strided_slice %dot_general3A_974 {offsets = [0, 512], sizes = [512, 128], strides = [1, 1]} : vector<512x2048xf32> to vector<512x128xf32>
    %slice3A_1054 = vector.extract_strided_slice %squeeze3A {offsets = [512], sizes = [128], strides = [1]} : vector<2048xf32> to vector<128xf32>
    %broadcast_in_dim3A_1055 = vector.shape_cast %reduce_sum3A_972 : vector<512xf32> to vector<512x1xf32>
    %broadcast_in_dim3A_1056 = vector.shape_cast %slice3A_1054 : vector<128xf32> to vector<1x128xf32>
    %add3A_1057 = vector.broadcast %broadcast_in_dim3A_1055 : vector<512x1xf32> to vector<512x128xf32>
    %add3A_1058 = vector.broadcast %broadcast_in_dim3A_1056 : vector<1x128xf32> to vector<512x128xf32>
    %add3A_1059 = arith.addf %add3A_1057, %add3A_1058 : vector<512x128xf32>
    %mul3A_1060 = arith.constant 2.000000e+00 : f32
    %mul3A_1061 = vector.broadcast %mul3A_1060 : f32 to vector<512x128xf32>
    %mul3A_1062 = arith.mulf %mul3A_1061, %slice3A_1053 : vector<512x128xf32>
    %sub3A_1063 = arith.subf %add3A_1059, %mul3A_1062 : vector<512x128xf32>
    %max3A_1064 = arith.constant 0.000000e+00 : f32
    %max3A_1065 = vector.broadcast %max3A_1064 : f32 to vector<512x128xf32>
    %max3A_1066 = arith.maximumf %sub3A_1063, %max3A_1065 : vector<512x128xf32>
    %min3A_1067 = arith.minimumf %min3A_1046, %max3A_1066 : vector<512x128xf32>
    %max3A_1068 = arith.maximumf %min3A_1046, %max3A_1066 : vector<512x128xf32>
    %min3A_1069 = arith.minimumf %min3A_1048, %max3A_1068 : vector<512x128xf32>
    %max3A_1070 = arith.maximumf %min3A_1048, %max3A_1068 : vector<512x128xf32>
    %min3A_1071 = arith.minimumf %min3A_1050, %max3A_1070 : vector<512x128xf32>
    %max3A_1072 = arith.maximumf %min3A_1050, %max3A_1070 : vector<512x128xf32>
    %min3A_1073 = arith.minimumf %min3A_1052, %max3A_1072 : vector<512x128xf32>
    %max3A_1074 = arith.maximumf %min3A_1052, %max3A_1072 : vector<512x128xf32>
    %min3A_1075 = arith.minimumf %broadcast_in_dim3A_981, %max3A_1074 : vector<512x128xf32>
    %slice3A_1076 = vector.extract_strided_slice %dot_general3A_974 {offsets = [0, 640], sizes = [512, 128], strides = [1, 1]} : vector<512x2048xf32> to vector<512x128xf32>
    %slice3A_1077 = vector.extract_strided_slice %squeeze3A {offsets = [640], sizes = [128], strides = [1]} : vector<2048xf32> to vector<128xf32>
    %broadcast_in_dim3A_1078 = vector.shape_cast %reduce_sum3A_972 : vector<512xf32> to vector<512x1xf32>
    %broadcast_in_dim3A_1079 = vector.shape_cast %slice3A_1077 : vector<128xf32> to vector<1x128xf32>
    %add3A_1080 = vector.broadcast %broadcast_in_dim3A_1078 : vector<512x1xf32> to vector<512x128xf32>
    %add3A_1081 = vector.broadcast %broadcast_in_dim3A_1079 : vector<1x128xf32> to vector<512x128xf32>
    %add3A_1082 = arith.addf %add3A_1080, %add3A_1081 : vector<512x128xf32>
    %mul3A_1083 = arith.constant 2.000000e+00 : f32
    %mul3A_1084 = vector.broadcast %mul3A_1083 : f32 to vector<512x128xf32>
    %mul3A_1085 = arith.mulf %mul3A_1084, %slice3A_1076 : vector<512x128xf32>
    %sub3A_1086 = arith.subf %add3A_1082, %mul3A_1085 : vector<512x128xf32>
    %max3A_1087 = arith.constant 0.000000e+00 : f32
    %max3A_1088 = vector.broadcast %max3A_1087 : f32 to vector<512x128xf32>
    %max3A_1089 = arith.maximumf %sub3A_1086, %max3A_1088 : vector<512x128xf32>
    %min3A_1090 = arith.minimumf %min3A_1067, %max3A_1089 : vector<512x128xf32>
    %max3A_1091 = arith.maximumf %min3A_1067, %max3A_1089 : vector<512x128xf32>
    %min3A_1092 = arith.minimumf %min3A_1069, %max3A_1091 : vector<512x128xf32>
    %max3A_1093 = arith.maximumf %min3A_1069, %max3A_1091 : vector<512x128xf32>
    %min3A_1094 = arith.minimumf %min3A_1071, %max3A_1093 : vector<512x128xf32>
    %max3A_1095 = arith.maximumf %min3A_1071, %max3A_1093 : vector<512x128xf32>
    %min3A_1096 = arith.minimumf %min3A_1073, %max3A_1095 : vector<512x128xf32>
    %max3A_1097 = arith.maximumf %min3A_1073, %max3A_1095 : vector<512x128xf32>
    %min3A_1098 = arith.minimumf %min3A_1075, %max3A_1097 : vector<512x128xf32>
    %slice3A_1099 = vector.extract_strided_slice %dot_general3A_974 {offsets = [0, 768], sizes = [512, 128], strides = [1, 1]} : vector<512x2048xf32> to vector<512x128xf32>
    %slice3A_1100 = vector.extract_strided_slice %squeeze3A {offsets = [768], sizes = [128], strides = [1]} : vector<2048xf32> to vector<128xf32>
    %broadcast_in_dim3A_1101 = vector.shape_cast %reduce_sum3A_972 : vector<512xf32> to vector<512x1xf32>
    %broadcast_in_dim3A_1102 = vector.shape_cast %slice3A_1100 : vector<128xf32> to vector<1x128xf32>
    %add3A_1103 = vector.broadcast %broadcast_in_dim3A_1101 : vector<512x1xf32> to vector<512x128xf32>
    %add3A_1104 = vector.broadcast %broadcast_in_dim3A_1102 : vector<1x128xf32> to vector<512x128xf32>
    %add3A_1105 = arith.addf %add3A_1103, %add3A_1104 : vector<512x128xf32>
    %mul3A_1106 = arith.constant 2.000000e+00 : f32
    %mul3A_1107 = vector.broadcast %mul3A_1106 : f32 to vector<512x128xf32>
    %mul3A_1108 = arith.mulf %mul3A_1107, %slice3A_1099 : vector<512x128xf32>
    %sub3A_1109 = arith.subf %add3A_1105, %mul3A_1108 : vector<512x128xf32>
    %max3A_1110 = arith.constant 0.000000e+00 : f32
    %max3A_1111 = vector.broadcast %max3A_1110 : f32 to vector<512x128xf32>
    %max3A_1112 = arith.maximumf %sub3A_1109, %max3A_1111 : vector<512x128xf32>
    %min3A_1113 = arith.minimumf %min3A_1090, %max3A_1112 : vector<512x128xf32>
    %max3A_1114 = arith.maximumf %min3A_1090, %max3A_1112 : vector<512x128xf32>
    %min3A_1115 = arith.minimumf %min3A_1092, %max3A_1114 : vector<512x128xf32>
    %max3A_1116 = arith.maximumf %min3A_1092, %max3A_1114 : vector<512x128xf32>
    %min3A_1117 = arith.minimumf %min3A_1094, %max3A_1116 : vector<512x128xf32>
    %max3A_1118 = arith.maximumf %min3A_1094, %max3A_1116 : vector<512x128xf32>
    %min3A_1119 = arith.minimumf %min3A_1096, %max3A_1118 : vector<512x128xf32>
    %max3A_1120 = arith.maximumf %min3A_1096, %max3A_1118 : vector<512x128xf32>
    %min3A_1121 = arith.minimumf %min3A_1098, %max3A_1120 : vector<512x128xf32>
    %slice3A_1122 = vector.extract_strided_slice %dot_general3A_974 {offsets = [0, 896], sizes = [512, 128], strides = [1, 1]} : vector<512x2048xf32> to vector<512x128xf32>
    %slice3A_1123 = vector.extract_strided_slice %squeeze3A {offsets = [896], sizes = [128], strides = [1]} : vector<2048xf32> to vector<128xf32>
    %broadcast_in_dim3A_1124 = vector.shape_cast %reduce_sum3A_972 : vector<512xf32> to vector<512x1xf32>
    %broadcast_in_dim3A_1125 = vector.shape_cast %slice3A_1123 : vector<128xf32> to vector<1x128xf32>
    %add3A_1126 = vector.broadcast %broadcast_in_dim3A_1124 : vector<512x1xf32> to vector<512x128xf32>
    %add3A_1127 = vector.broadcast %broadcast_in_dim3A_1125 : vector<1x128xf32> to vector<512x128xf32>
    %add3A_1128 = arith.addf %add3A_1126, %add3A_1127 : vector<512x128xf32>
    %mul3A_1129 = arith.constant 2.000000e+00 : f32
    %mul3A_1130 = vector.broadcast %mul3A_1129 : f32 to vector<512x128xf32>
    %mul3A_1131 = arith.mulf %mul3A_1130, %slice3A_1122 : vector<512x128xf32>
    %sub3A_1132 = arith.subf %add3A_1128, %mul3A_1131 : vector<512x128xf32>
    %max3A_1133 = arith.constant 0.000000e+00 : f32
    %max3A_1134 = vector.broadcast %max3A_1133 : f32 to vector<512x128xf32>
    %max3A_1135 = arith.maximumf %sub3A_1132, %max3A_1134 : vector<512x128xf32>
    %min3A_1136 = arith.minimumf %min3A_1113, %max3A_1135 : vector<512x128xf32>
    %max3A_1137 = arith.maximumf %min3A_1113, %max3A_1135 : vector<512x128xf32>
    %min3A_1138 = arith.minimumf %min3A_1115, %max3A_1137 : vector<512x128xf32>
    %max3A_1139 = arith.maximumf %min3A_1115, %max3A_1137 : vector<512x128xf32>
    %min3A_1140 = arith.minimumf %min3A_1117, %max3A_1139 : vector<512x128xf32>
    %max3A_1141 = arith.maximumf %min3A_1117, %max3A_1139 : vector<512x128xf32>
    %min3A_1142 = arith.minimumf %min3A_1119, %max3A_1141 : vector<512x128xf32>
    %max3A_1143 = arith.maximumf %min3A_1119, %max3A_1141 : vector<512x128xf32>
    %min3A_1144 = arith.minimumf %min3A_1121, %max3A_1143 : vector<512x128xf32>
    %slice3A_1145 = vector.extract_strided_slice %dot_general3A_974 {offsets = [0, 1024], sizes = [512, 128], strides = [1, 1]} : vector<512x2048xf32> to vector<512x128xf32>
    %slice3A_1146 = vector.extract_strided_slice %squeeze3A {offsets = [1024], sizes = [128], strides = [1]} : vector<2048xf32> to vector<128xf32>
    %broadcast_in_dim3A_1147 = vector.shape_cast %reduce_sum3A_972 : vector<512xf32> to vector<512x1xf32>
    %broadcast_in_dim3A_1148 = vector.shape_cast %slice3A_1146 : vector<128xf32> to vector<1x128xf32>
    %add3A_1149 = vector.broadcast %broadcast_in_dim3A_1147 : vector<512x1xf32> to vector<512x128xf32>
    %add3A_1150 = vector.broadcast %broadcast_in_dim3A_1148 : vector<1x128xf32> to vector<512x128xf32>
    %add3A_1151 = arith.addf %add3A_1149, %add3A_1150 : vector<512x128xf32>
    %mul3A_1152 = arith.constant 2.000000e+00 : f32
    %mul3A_1153 = vector.broadcast %mul3A_1152 : f32 to vector<512x128xf32>
    %mul3A_1154 = arith.mulf %mul3A_1153, %slice3A_1145 : vector<512x128xf32>
    %sub3A_1155 = arith.subf %add3A_1151, %mul3A_1154 : vector<512x128xf32>
    %max3A_1156 = arith.constant 0.000000e+00 : f32
    %max3A_1157 = vector.broadcast %max3A_1156 : f32 to vector<512x128xf32>
    %max3A_1158 = arith.maximumf %sub3A_1155, %max3A_1157 : vector<512x128xf32>
    %add3A_1159 = arith.constant 1024 : i32
    %add3A_1160 = vector.broadcast %add3A_1159 : i32 to vector<512x128xi32>
    %add3A_1161 = arith.addi %add3A_1160, %iota3A_979 : vector<512x128xi32>
    %eq3A_1162 = arith.cmpi eq, %add3A_978, %add3A_1161 : vector<512x128xi32>
    %jit3A_1163 = arith.constant 1.000000e+10 : f32
    %broadcast_in_dim3A_1164 = vector.broadcast %jit3A_1163 : f32 to vector<512x128xf32>
    %select_n3A_1165 = arith.select %eq3A_1162, %broadcast_in_dim3A_1164, %max3A_1158 : vector<512x128xi1>, vector<512x128xf32>
    %min3A_1166 = arith.minimumf %min3A_1136, %select_n3A_1165 : vector<512x128xf32>
    %max3A_1167 = arith.maximumf %min3A_1136, %select_n3A_1165 : vector<512x128xf32>
    %min3A_1168 = arith.minimumf %min3A_1138, %max3A_1167 : vector<512x128xf32>
    %max3A_1169 = arith.maximumf %min3A_1138, %max3A_1167 : vector<512x128xf32>
    %min3A_1170 = arith.minimumf %min3A_1140, %max3A_1169 : vector<512x128xf32>
    %max3A_1171 = arith.maximumf %min3A_1140, %max3A_1169 : vector<512x128xf32>
    %min3A_1172 = arith.minimumf %min3A_1142, %max3A_1171 : vector<512x128xf32>
    %max3A_1173 = arith.maximumf %min3A_1142, %max3A_1171 : vector<512x128xf32>
    %min3A_1174 = arith.minimumf %min3A_1144, %max3A_1173 : vector<512x128xf32>
    %slice3A_1175 = vector.extract_strided_slice %dot_general3A_974 {offsets = [0, 1152], sizes = [512, 128], strides = [1, 1]} : vector<512x2048xf32> to vector<512x128xf32>
    %slice3A_1176 = vector.extract_strided_slice %squeeze3A {offsets = [1152], sizes = [128], strides = [1]} : vector<2048xf32> to vector<128xf32>
    %broadcast_in_dim3A_1177 = vector.shape_cast %reduce_sum3A_972 : vector<512xf32> to vector<512x1xf32>
    %broadcast_in_dim3A_1178 = vector.shape_cast %slice3A_1176 : vector<128xf32> to vector<1x128xf32>
    %add3A_1179 = vector.broadcast %broadcast_in_dim3A_1177 : vector<512x1xf32> to vector<512x128xf32>
    %add3A_1180 = vector.broadcast %broadcast_in_dim3A_1178 : vector<1x128xf32> to vector<512x128xf32>
    %add3A_1181 = arith.addf %add3A_1179, %add3A_1180 : vector<512x128xf32>
    %mul3A_1182 = arith.constant 2.000000e+00 : f32
    %mul3A_1183 = vector.broadcast %mul3A_1182 : f32 to vector<512x128xf32>
    %mul3A_1184 = arith.mulf %mul3A_1183, %slice3A_1175 : vector<512x128xf32>
    %sub3A_1185 = arith.subf %add3A_1181, %mul3A_1184 : vector<512x128xf32>
    %max3A_1186 = arith.constant 0.000000e+00 : f32
    %max3A_1187 = vector.broadcast %max3A_1186 : f32 to vector<512x128xf32>
    %max3A_1188 = arith.maximumf %sub3A_1185, %max3A_1187 : vector<512x128xf32>
    %add3A_1189 = arith.constant 1152 : i32
    %add3A_1190 = vector.broadcast %add3A_1189 : i32 to vector<512x128xi32>
    %add3A_1191 = arith.addi %add3A_1190, %iota3A_979 : vector<512x128xi32>
    %eq3A_1192 = arith.cmpi eq, %add3A_978, %add3A_1191 : vector<512x128xi32>
    %jit3A_1193 = arith.constant 1.000000e+10 : f32
    %broadcast_in_dim3A_1194 = vector.broadcast %jit3A_1193 : f32 to vector<512x128xf32>
    %select_n3A_1195 = arith.select %eq3A_1192, %broadcast_in_dim3A_1194, %max3A_1188 : vector<512x128xi1>, vector<512x128xf32>
    %min3A_1196 = arith.minimumf %min3A_1166, %select_n3A_1195 : vector<512x128xf32>
    %max3A_1197 = arith.maximumf %min3A_1166, %select_n3A_1195 : vector<512x128xf32>
    %min3A_1198 = arith.minimumf %min3A_1168, %max3A_1197 : vector<512x128xf32>
    %max3A_1199 = arith.maximumf %min3A_1168, %max3A_1197 : vector<512x128xf32>
    %min3A_1200 = arith.minimumf %min3A_1170, %max3A_1199 : vector<512x128xf32>
    %max3A_1201 = arith.maximumf %min3A_1170, %max3A_1199 : vector<512x128xf32>
    %min3A_1202 = arith.minimumf %min3A_1172, %max3A_1201 : vector<512x128xf32>
    %max3A_1203 = arith.maximumf %min3A_1172, %max3A_1201 : vector<512x128xf32>
    %min3A_1204 = arith.minimumf %min3A_1174, %max3A_1203 : vector<512x128xf32>
    %slice3A_1205 = vector.extract_strided_slice %dot_general3A_974 {offsets = [0, 1280], sizes = [512, 128], strides = [1, 1]} : vector<512x2048xf32> to vector<512x128xf32>
    %slice3A_1206 = vector.extract_strided_slice %squeeze3A {offsets = [1280], sizes = [128], strides = [1]} : vector<2048xf32> to vector<128xf32>
    %broadcast_in_dim3A_1207 = vector.shape_cast %reduce_sum3A_972 : vector<512xf32> to vector<512x1xf32>
    %broadcast_in_dim3A_1208 = vector.shape_cast %slice3A_1206 : vector<128xf32> to vector<1x128xf32>
    %add3A_1209 = vector.broadcast %broadcast_in_dim3A_1207 : vector<512x1xf32> to vector<512x128xf32>
    %add3A_1210 = vector.broadcast %broadcast_in_dim3A_1208 : vector<1x128xf32> to vector<512x128xf32>
    %add3A_1211 = arith.addf %add3A_1209, %add3A_1210 : vector<512x128xf32>
    %mul3A_1212 = arith.constant 2.000000e+00 : f32
    %mul3A_1213 = vector.broadcast %mul3A_1212 : f32 to vector<512x128xf32>
    %mul3A_1214 = arith.mulf %mul3A_1213, %slice3A_1205 : vector<512x128xf32>
    %sub3A_1215 = arith.subf %add3A_1211, %mul3A_1214 : vector<512x128xf32>
    %max3A_1216 = arith.constant 0.000000e+00 : f32
    %max3A_1217 = vector.broadcast %max3A_1216 : f32 to vector<512x128xf32>
    %max3A_1218 = arith.maximumf %sub3A_1215, %max3A_1217 : vector<512x128xf32>
    %add3A_1219 = arith.constant 1280 : i32
    %add3A_1220 = vector.broadcast %add3A_1219 : i32 to vector<512x128xi32>
    %add3A_1221 = arith.addi %add3A_1220, %iota3A_979 : vector<512x128xi32>
    %eq3A_1222 = arith.cmpi eq, %add3A_978, %add3A_1221 : vector<512x128xi32>
    %jit3A_1223 = arith.constant 1.000000e+10 : f32
    %broadcast_in_dim3A_1224 = vector.broadcast %jit3A_1223 : f32 to vector<512x128xf32>
    %select_n3A_1225 = arith.select %eq3A_1222, %broadcast_in_dim3A_1224, %max3A_1218 : vector<512x128xi1>, vector<512x128xf32>
    %min3A_1226 = arith.minimumf %min3A_1196, %select_n3A_1225 : vector<512x128xf32>
    %max3A_1227 = arith.maximumf %min3A_1196, %select_n3A_1225 : vector<512x128xf32>
    %min3A_1228 = arith.minimumf %min3A_1198, %max3A_1227 : vector<512x128xf32>
    %max3A_1229 = arith.maximumf %min3A_1198, %max3A_1227 : vector<512x128xf32>
    %min3A_1230 = arith.minimumf %min3A_1200, %max3A_1229 : vector<512x128xf32>
    %max3A_1231 = arith.maximumf %min3A_1200, %max3A_1229 : vector<512x128xf32>
    %min3A_1232 = arith.minimumf %min3A_1202, %max3A_1231 : vector<512x128xf32>
    %max3A_1233 = arith.maximumf %min3A_1202, %max3A_1231 : vector<512x128xf32>
    %min3A_1234 = arith.minimumf %min3A_1204, %max3A_1233 : vector<512x128xf32>
    %slice3A_1235 = vector.extract_strided_slice %dot_general3A_974 {offsets = [0, 1408], sizes = [512, 128], strides = [1, 1]} : vector<512x2048xf32> to vector<512x128xf32>
    %slice3A_1236 = vector.extract_strided_slice %squeeze3A {offsets = [1408], sizes = [128], strides = [1]} : vector<2048xf32> to vector<128xf32>
    %broadcast_in_dim3A_1237 = vector.shape_cast %reduce_sum3A_972 : vector<512xf32> to vector<512x1xf32>
    %broadcast_in_dim3A_1238 = vector.shape_cast %slice3A_1236 : vector<128xf32> to vector<1x128xf32>
    %add3A_1239 = vector.broadcast %broadcast_in_dim3A_1237 : vector<512x1xf32> to vector<512x128xf32>
    %add3A_1240 = vector.broadcast %broadcast_in_dim3A_1238 : vector<1x128xf32> to vector<512x128xf32>
    %add3A_1241 = arith.addf %add3A_1239, %add3A_1240 : vector<512x128xf32>
    %mul3A_1242 = arith.constant 2.000000e+00 : f32
    %mul3A_1243 = vector.broadcast %mul3A_1242 : f32 to vector<512x128xf32>
    %mul3A_1244 = arith.mulf %mul3A_1243, %slice3A_1235 : vector<512x128xf32>
    %sub3A_1245 = arith.subf %add3A_1241, %mul3A_1244 : vector<512x128xf32>
    %max3A_1246 = arith.constant 0.000000e+00 : f32
    %max3A_1247 = vector.broadcast %max3A_1246 : f32 to vector<512x128xf32>
    %max3A_1248 = arith.maximumf %sub3A_1245, %max3A_1247 : vector<512x128xf32>
    %add3A_1249 = arith.constant 1408 : i32
    %add3A_1250 = vector.broadcast %add3A_1249 : i32 to vector<512x128xi32>
    %add3A_1251 = arith.addi %add3A_1250, %iota3A_979 : vector<512x128xi32>
    %eq3A_1252 = arith.cmpi eq, %add3A_978, %add3A_1251 : vector<512x128xi32>
    %jit3A_1253 = arith.constant 1.000000e+10 : f32
    %broadcast_in_dim3A_1254 = vector.broadcast %jit3A_1253 : f32 to vector<512x128xf32>
    %select_n3A_1255 = arith.select %eq3A_1252, %broadcast_in_dim3A_1254, %max3A_1248 : vector<512x128xi1>, vector<512x128xf32>
    %min3A_1256 = arith.minimumf %min3A_1226, %select_n3A_1255 : vector<512x128xf32>
    %max3A_1257 = arith.maximumf %min3A_1226, %select_n3A_1255 : vector<512x128xf32>
    %min3A_1258 = arith.minimumf %min3A_1228, %max3A_1257 : vector<512x128xf32>
    %max3A_1259 = arith.maximumf %min3A_1228, %max3A_1257 : vector<512x128xf32>
    %min3A_1260 = arith.minimumf %min3A_1230, %max3A_1259 : vector<512x128xf32>
    %max3A_1261 = arith.maximumf %min3A_1230, %max3A_1259 : vector<512x128xf32>
    %min3A_1262 = arith.minimumf %min3A_1232, %max3A_1261 : vector<512x128xf32>
    %max3A_1263 = arith.maximumf %min3A_1232, %max3A_1261 : vector<512x128xf32>
    %min3A_1264 = arith.minimumf %min3A_1234, %max3A_1263 : vector<512x128xf32>
    %slice3A_1265 = vector.extract_strided_slice %dot_general3A_974 {offsets = [0, 1536], sizes = [512, 128], strides = [1, 1]} : vector<512x2048xf32> to vector<512x128xf32>
    %slice3A_1266 = vector.extract_strided_slice %squeeze3A {offsets = [1536], sizes = [128], strides = [1]} : vector<2048xf32> to vector<128xf32>
    %broadcast_in_dim3A_1267 = vector.shape_cast %reduce_sum3A_972 : vector<512xf32> to vector<512x1xf32>
    %broadcast_in_dim3A_1268 = vector.shape_cast %slice3A_1266 : vector<128xf32> to vector<1x128xf32>
    %add3A_1269 = vector.broadcast %broadcast_in_dim3A_1267 : vector<512x1xf32> to vector<512x128xf32>
    %add3A_1270 = vector.broadcast %broadcast_in_dim3A_1268 : vector<1x128xf32> to vector<512x128xf32>
    %add3A_1271 = arith.addf %add3A_1269, %add3A_1270 : vector<512x128xf32>
    %mul3A_1272 = arith.constant 2.000000e+00 : f32
    %mul3A_1273 = vector.broadcast %mul3A_1272 : f32 to vector<512x128xf32>
    %mul3A_1274 = arith.mulf %mul3A_1273, %slice3A_1265 : vector<512x128xf32>
    %sub3A_1275 = arith.subf %add3A_1271, %mul3A_1274 : vector<512x128xf32>
    %max3A_1276 = arith.constant 0.000000e+00 : f32
    %max3A_1277 = vector.broadcast %max3A_1276 : f32 to vector<512x128xf32>
    %max3A_1278 = arith.maximumf %sub3A_1275, %max3A_1277 : vector<512x128xf32>
    %min3A_1279 = arith.minimumf %min3A_1256, %max3A_1278 : vector<512x128xf32>
    %max3A_1280 = arith.maximumf %min3A_1256, %max3A_1278 : vector<512x128xf32>
    %min3A_1281 = arith.minimumf %min3A_1258, %max3A_1280 : vector<512x128xf32>
    %max3A_1282 = arith.maximumf %min3A_1258, %max3A_1280 : vector<512x128xf32>
    %min3A_1283 = arith.minimumf %min3A_1260, %max3A_1282 : vector<512x128xf32>
    %max3A_1284 = arith.maximumf %min3A_1260, %max3A_1282 : vector<512x128xf32>
    %min3A_1285 = arith.minimumf %min3A_1262, %max3A_1284 : vector<512x128xf32>
    %max3A_1286 = arith.maximumf %min3A_1262, %max3A_1284 : vector<512x128xf32>
    %min3A_1287 = arith.minimumf %min3A_1264, %max3A_1286 : vector<512x128xf32>
    %slice3A_1288 = vector.extract_strided_slice %dot_general3A_974 {offsets = [0, 1664], sizes = [512, 128], strides = [1, 1]} : vector<512x2048xf32> to vector<512x128xf32>
    %slice3A_1289 = vector.extract_strided_slice %squeeze3A {offsets = [1664], sizes = [128], strides = [1]} : vector<2048xf32> to vector<128xf32>
    %broadcast_in_dim3A_1290 = vector.shape_cast %reduce_sum3A_972 : vector<512xf32> to vector<512x1xf32>
    %broadcast_in_dim3A_1291 = vector.shape_cast %slice3A_1289 : vector<128xf32> to vector<1x128xf32>
    %add3A_1292 = vector.broadcast %broadcast_in_dim3A_1290 : vector<512x1xf32> to vector<512x128xf32>
    %add3A_1293 = vector.broadcast %broadcast_in_dim3A_1291 : vector<1x128xf32> to vector<512x128xf32>
    %add3A_1294 = arith.addf %add3A_1292, %add3A_1293 : vector<512x128xf32>
    %mul3A_1295 = arith.constant 2.000000e+00 : f32
    %mul3A_1296 = vector.broadcast %mul3A_1295 : f32 to vector<512x128xf32>
    %mul3A_1297 = arith.mulf %mul3A_1296, %slice3A_1288 : vector<512x128xf32>
    %sub3A_1298 = arith.subf %add3A_1294, %mul3A_1297 : vector<512x128xf32>
    %max3A_1299 = arith.constant 0.000000e+00 : f32
    %max3A_1300 = vector.broadcast %max3A_1299 : f32 to vector<512x128xf32>
    %max3A_1301 = arith.maximumf %sub3A_1298, %max3A_1300 : vector<512x128xf32>
    %min3A_1302 = arith.minimumf %min3A_1279, %max3A_1301 : vector<512x128xf32>
    %max3A_1303 = arith.maximumf %min3A_1279, %max3A_1301 : vector<512x128xf32>
    %min3A_1304 = arith.minimumf %min3A_1281, %max3A_1303 : vector<512x128xf32>
    %max3A_1305 = arith.maximumf %min3A_1281, %max3A_1303 : vector<512x128xf32>
    %min3A_1306 = arith.minimumf %min3A_1283, %max3A_1305 : vector<512x128xf32>
    %max3A_1307 = arith.maximumf %min3A_1283, %max3A_1305 : vector<512x128xf32>
    %min3A_1308 = arith.minimumf %min3A_1285, %max3A_1307 : vector<512x128xf32>
    %max3A_1309 = arith.maximumf %min3A_1285, %max3A_1307 : vector<512x128xf32>
    %min3A_1310 = arith.minimumf %min3A_1287, %max3A_1309 : vector<512x128xf32>
    %slice3A_1311 = vector.extract_strided_slice %dot_general3A_974 {offsets = [0, 1792], sizes = [512, 128], strides = [1, 1]} : vector<512x2048xf32> to vector<512x128xf32>
    %slice3A_1312 = vector.extract_strided_slice %squeeze3A {offsets = [1792], sizes = [128], strides = [1]} : vector<2048xf32> to vector<128xf32>
    %broadcast_in_dim3A_1313 = vector.shape_cast %reduce_sum3A_972 : vector<512xf32> to vector<512x1xf32>
    %broadcast_in_dim3A_1314 = vector.shape_cast %slice3A_1312 : vector<128xf32> to vector<1x128xf32>
    %add3A_1315 = vector.broadcast %broadcast_in_dim3A_1313 : vector<512x1xf32> to vector<512x128xf32>
    %add3A_1316 = vector.broadcast %broadcast_in_dim3A_1314 : vector<1x128xf32> to vector<512x128xf32>
    %add3A_1317 = arith.addf %add3A_1315, %add3A_1316 : vector<512x128xf32>
    %mul3A_1318 = arith.constant 2.000000e+00 : f32
    %mul3A_1319 = vector.broadcast %mul3A_1318 : f32 to vector<512x128xf32>
    %mul3A_1320 = arith.mulf %mul3A_1319, %slice3A_1311 : vector<512x128xf32>
    %sub3A_1321 = arith.subf %add3A_1317, %mul3A_1320 : vector<512x128xf32>
    %max3A_1322 = arith.constant 0.000000e+00 : f32
    %max3A_1323 = vector.broadcast %max3A_1322 : f32 to vector<512x128xf32>
    %max3A_1324 = arith.maximumf %sub3A_1321, %max3A_1323 : vector<512x128xf32>
    %min3A_1325 = arith.minimumf %min3A_1302, %max3A_1324 : vector<512x128xf32>
    %max3A_1326 = arith.maximumf %min3A_1302, %max3A_1324 : vector<512x128xf32>
    %min3A_1327 = arith.minimumf %min3A_1304, %max3A_1326 : vector<512x128xf32>
    %max3A_1328 = arith.maximumf %min3A_1304, %max3A_1326 : vector<512x128xf32>
    %min3A_1329 = arith.minimumf %min3A_1306, %max3A_1328 : vector<512x128xf32>
    %max3A_1330 = arith.maximumf %min3A_1306, %max3A_1328 : vector<512x128xf32>
    %min3A_1331 = arith.minimumf %min3A_1308, %max3A_1330 : vector<512x128xf32>
    %max3A_1332 = arith.maximumf %min3A_1308, %max3A_1330 : vector<512x128xf32>
    %min3A_1333 = arith.minimumf %min3A_1310, %max3A_1332 : vector<512x128xf32>
    %slice3A_1334 = vector.extract_strided_slice %dot_general3A_974 {offsets = [0, 1920], sizes = [512, 128], strides = [1, 1]} : vector<512x2048xf32> to vector<512x128xf32>
    %slice3A_1335 = vector.extract_strided_slice %squeeze3A {offsets = [1920], sizes = [128], strides = [1]} : vector<2048xf32> to vector<128xf32>
    %broadcast_in_dim3A_1336 = vector.shape_cast %reduce_sum3A_972 : vector<512xf32> to vector<512x1xf32>
    %broadcast_in_dim3A_1337 = vector.shape_cast %slice3A_1335 : vector<128xf32> to vector<1x128xf32>
    %add3A_1338 = vector.broadcast %broadcast_in_dim3A_1336 : vector<512x1xf32> to vector<512x128xf32>
    %add3A_1339 = vector.broadcast %broadcast_in_dim3A_1337 : vector<1x128xf32> to vector<512x128xf32>
    %add3A_1340 = arith.addf %add3A_1338, %add3A_1339 : vector<512x128xf32>
    %mul3A_1341 = arith.constant 2.000000e+00 : f32
    %mul3A_1342 = vector.broadcast %mul3A_1341 : f32 to vector<512x128xf32>
    %mul3A_1343 = arith.mulf %mul3A_1342, %slice3A_1334 : vector<512x128xf32>
    %sub3A_1344 = arith.subf %add3A_1340, %mul3A_1343 : vector<512x128xf32>
    %max3A_1345 = arith.constant 0.000000e+00 : f32
    %max3A_1346 = vector.broadcast %max3A_1345 : f32 to vector<512x128xf32>
    %max3A_1347 = arith.maximumf %sub3A_1344, %max3A_1346 : vector<512x128xf32>
    %min3A_1348 = arith.minimumf %min3A_1325, %max3A_1347 : vector<512x128xf32>
    %max3A_1349 = arith.maximumf %min3A_1325, %max3A_1347 : vector<512x128xf32>
    %min3A_1350 = arith.minimumf %min3A_1327, %max3A_1349 : vector<512x128xf32>
    %max3A_1351 = arith.maximumf %min3A_1327, %max3A_1349 : vector<512x128xf32>
    %min3A_1352 = arith.minimumf %min3A_1329, %max3A_1351 : vector<512x128xf32>
    %max3A_1353 = arith.maximumf %min3A_1329, %max3A_1351 : vector<512x128xf32>
    %min3A_1354 = arith.minimumf %min3A_1331, %max3A_1353 : vector<512x128xf32>
    %max3A_1355 = arith.maximumf %min3A_1331, %max3A_1353 : vector<512x128xf32>
    %min3A_1356 = arith.minimumf %min3A_1333, %max3A_1355 : vector<512x128xf32>
    %iota3A_1357 = tpu.iota {dimensions = array<i32: 1>} : vector<512x128xi32>
    %broadcast_in_dim3A_1358 = arith.constant 0.000000e+00 : f32
    %broadcast_in_dim3A_1359 = vector.broadcast %broadcast_in_dim3A_1358 : f32 to vector<512xf32>
    %reduce_min3A_1360 = arith.constant dense<0x7F800000> : vector<512xf32>
    %reduce_min3A_1361 = vector.multi_reduction <minimumf>, %min3A_1348, %reduce_min3A_1360 [1] : vector<512x128xf32> to vector<512xf32>
    %max3A_1362 = arith.constant 9.99999996E-13 : f32
    %max3A_1363 = vector.broadcast %max3A_1362 : f32 to vector<512xf32>
    %max3A_1364 = arith.maximumf %reduce_min3A_1361, %max3A_1363 : vector<512xf32>
    %sqrt3A_1365 = math.sqrt %max3A_1364 : vector<512xf32>
    %add3A_1366 = arith.addf %broadcast_in_dim3A_1359, %sqrt3A_1365 : vector<512xf32>
    %broadcast_in_dim3A_1367 = vector.shape_cast %reduce_min3A_1361 : vector<512xf32> to vector<512x1xf32>
    %eq3A_1368 = vector.broadcast %broadcast_in_dim3A_1367 : vector<512x1xf32> to vector<512x128xf32>
    %eq3A_1369 = arith.cmpf oeq, %min3A_1348, %eq3A_1368 : vector<512x128xf32>
    %jit3A_1370 = arith.constant 128 : i32
    %broadcast_in_dim3A_1371 = vector.broadcast %jit3A_1370 : i32 to vector<512x128xi32>
    %select_n3A_1372 = arith.select %eq3A_1369, %iota3A_1357, %broadcast_in_dim3A_1371 : vector<512x128xi1>, vector<512x128xi32>
    %reduce_min3A_1373 = arith.constant dense<2147483647> : vector<512xi32>
    %reduce_min3A_1374 = vector.multi_reduction <minsi>, %select_n3A_1372, %reduce_min3A_1373 [1] : vector<512x128xi32> to vector<512xi32>
    %broadcast_in_dim3A_1375 = vector.shape_cast %reduce_min3A_1374 : vector<512xi32> to vector<512x1xi32>
    %eq3A_1376 = vector.broadcast %broadcast_in_dim3A_1375 : vector<512x1xi32> to vector<512x128xi32>
    %eq3A_1377 = arith.cmpi eq, %iota3A_1357, %eq3A_1376 : vector<512x128xi32>
    %select_n3A_1378 = arith.select %eq3A_1377, %min3A_1350, %min3A_1348 : vector<512x128xi1>, vector<512x128xf32>
    %select_n3A_1379 = arith.select %eq3A_1377, %min3A_1352, %min3A_1350 : vector<512x128xi1>, vector<512x128xf32>
    %select_n3A_1380 = arith.select %eq3A_1377, %min3A_1354, %min3A_1352 : vector<512x128xi1>, vector<512x128xf32>
    %select_n3A_1381 = arith.select %eq3A_1377, %min3A_1356, %min3A_1354 : vector<512x128xi1>, vector<512x128xf32>
    %reduce_min3A_1382 = arith.constant dense<0x7F800000> : vector<512xf32>
    %reduce_min3A_1383 = vector.multi_reduction <minimumf>, %select_n3A_1378, %reduce_min3A_1382 [1] : vector<512x128xf32> to vector<512xf32>
    %max3A_1384 = arith.constant 9.99999996E-13 : f32
    %max3A_1385 = vector.broadcast %max3A_1384 : f32 to vector<512xf32>
    %max3A_1386 = arith.maximumf %reduce_min3A_1383, %max3A_1385 : vector<512xf32>
    %sqrt3A_1387 = math.sqrt %max3A_1386 : vector<512xf32>
    %add3A_1388 = arith.addf %add3A_1366, %sqrt3A_1387 : vector<512xf32>
    %broadcast_in_dim3A_1389 = vector.shape_cast %reduce_min3A_1383 : vector<512xf32> to vector<512x1xf32>
    %eq3A_1390 = vector.broadcast %broadcast_in_dim3A_1389 : vector<512x1xf32> to vector<512x128xf32>
    %eq3A_1391 = arith.cmpf oeq, %select_n3A_1378, %eq3A_1390 : vector<512x128xf32>
    %jit3A_1392 = arith.constant 128 : i32
    %broadcast_in_dim3A_1393 = vector.broadcast %jit3A_1392 : i32 to vector<512x128xi32>
    %select_n3A_1394 = arith.select %eq3A_1391, %iota3A_1357, %broadcast_in_dim3A_1393 : vector<512x128xi1>, vector<512x128xi32>
    %reduce_min3A_1395 = arith.constant dense<2147483647> : vector<512xi32>
    %reduce_min3A_1396 = vector.multi_reduction <minsi>, %select_n3A_1394, %reduce_min3A_1395 [1] : vector<512x128xi32> to vector<512xi32>
    %broadcast_in_dim3A_1397 = vector.shape_cast %reduce_min3A_1396 : vector<512xi32> to vector<512x1xi32>
    %eq3A_1398 = vector.broadcast %broadcast_in_dim3A_1397 : vector<512x1xi32> to vector<512x128xi32>
    %eq3A_1399 = arith.cmpi eq, %iota3A_1357, %eq3A_1398 : vector<512x128xi32>
    %select_n3A_1400 = arith.select %eq3A_1399, %select_n3A_1379, %select_n3A_1378 : vector<512x128xi1>, vector<512x128xf32>
    %select_n3A_1401 = arith.select %eq3A_1399, %select_n3A_1380, %select_n3A_1379 : vector<512x128xi1>, vector<512x128xf32>
    %select_n3A_1402 = arith.select %eq3A_1399, %select_n3A_1381, %select_n3A_1380 : vector<512x128xi1>, vector<512x128xf32>
    %reduce_min3A_1403 = arith.constant dense<0x7F800000> : vector<512xf32>
    %reduce_min3A_1404 = vector.multi_reduction <minimumf>, %select_n3A_1400, %reduce_min3A_1403 [1] : vector<512x128xf32> to vector<512xf32>
    %max3A_1405 = arith.constant 9.99999996E-13 : f32
    %max3A_1406 = vector.broadcast %max3A_1405 : f32 to vector<512xf32>
    %max3A_1407 = arith.maximumf %reduce_min3A_1404, %max3A_1406 : vector<512xf32>
    %sqrt3A_1408 = math.sqrt %max3A_1407 : vector<512xf32>
    %add3A_1409 = arith.addf %add3A_1388, %sqrt3A_1408 : vector<512xf32>
    %broadcast_in_dim3A_1410 = vector.shape_cast %reduce_min3A_1404 : vector<512xf32> to vector<512x1xf32>
    %eq3A_1411 = vector.broadcast %broadcast_in_dim3A_1410 : vector<512x1xf32> to vector<512x128xf32>
    %eq3A_1412 = arith.cmpf oeq, %select_n3A_1400, %eq3A_1411 : vector<512x128xf32>
    %jit3A_1413 = arith.constant 128 : i32
    %broadcast_in_dim3A_1414 = vector.broadcast %jit3A_1413 : i32 to vector<512x128xi32>
    %select_n3A_1415 = arith.select %eq3A_1412, %iota3A_1357, %broadcast_in_dim3A_1414 : vector<512x128xi1>, vector<512x128xi32>
    %reduce_min3A_1416 = arith.constant dense<2147483647> : vector<512xi32>
    %reduce_min3A_1417 = vector.multi_reduction <minsi>, %select_n3A_1415, %reduce_min3A_1416 [1] : vector<512x128xi32> to vector<512xi32>
    %broadcast_in_dim3A_1418 = vector.shape_cast %reduce_min3A_1417 : vector<512xi32> to vector<512x1xi32>
    %eq3A_1419 = vector.broadcast %broadcast_in_dim3A_1418 : vector<512x1xi32> to vector<512x128xi32>
    %eq3A_1420 = arith.cmpi eq, %iota3A_1357, %eq3A_1419 : vector<512x128xi32>
    %select_n3A_1421 = arith.select %eq3A_1420, %select_n3A_1401, %select_n3A_1400 : vector<512x128xi1>, vector<512x128xf32>
    %select_n3A_1422 = arith.select %eq3A_1420, %select_n3A_1402, %select_n3A_1401 : vector<512x128xi1>, vector<512x128xf32>
    %reduce_min3A_1423 = arith.constant dense<0x7F800000> : vector<512xf32>
    %reduce_min3A_1424 = vector.multi_reduction <minimumf>, %select_n3A_1421, %reduce_min3A_1423 [1] : vector<512x128xf32> to vector<512xf32>
    %max3A_1425 = arith.constant 9.99999996E-13 : f32
    %max3A_1426 = vector.broadcast %max3A_1425 : f32 to vector<512xf32>
    %max3A_1427 = arith.maximumf %reduce_min3A_1424, %max3A_1426 : vector<512xf32>
    %sqrt3A_1428 = math.sqrt %max3A_1427 : vector<512xf32>
    %add3A_1429 = arith.addf %add3A_1409, %sqrt3A_1428 : vector<512xf32>
    %broadcast_in_dim3A_1430 = vector.shape_cast %reduce_min3A_1424 : vector<512xf32> to vector<512x1xf32>
    %eq3A_1431 = vector.broadcast %broadcast_in_dim3A_1430 : vector<512x1xf32> to vector<512x128xf32>
    %eq3A_1432 = arith.cmpf oeq, %select_n3A_1421, %eq3A_1431 : vector<512x128xf32>
    %jit3A_1433 = arith.constant 128 : i32
    %broadcast_in_dim3A_1434 = vector.broadcast %jit3A_1433 : i32 to vector<512x128xi32>
    %select_n3A_1435 = arith.select %eq3A_1432, %iota3A_1357, %broadcast_in_dim3A_1434 : vector<512x128xi1>, vector<512x128xi32>
    %reduce_min3A_1436 = arith.constant dense<2147483647> : vector<512xi32>
    %reduce_min3A_1437 = vector.multi_reduction <minsi>, %select_n3A_1435, %reduce_min3A_1436 [1] : vector<512x128xi32> to vector<512xi32>
    %broadcast_in_dim3A_1438 = vector.shape_cast %reduce_min3A_1437 : vector<512xi32> to vector<512x1xi32>
    %eq3A_1439 = vector.broadcast %broadcast_in_dim3A_1438 : vector<512x1xi32> to vector<512x128xi32>
    %eq3A_1440 = arith.cmpi eq, %iota3A_1357, %eq3A_1439 : vector<512x128xi32>
    %select_n3A_1441 = arith.select %eq3A_1440, %select_n3A_1422, %select_n3A_1421 : vector<512x128xi1>, vector<512x128xf32>
    %reduce_min3A_1442 = arith.constant dense<0x7F800000> : vector<512xf32>
    %reduce_min3A_1443 = vector.multi_reduction <minimumf>, %select_n3A_1441, %reduce_min3A_1442 [1] : vector<512x128xf32> to vector<512xf32>
    %max3A_1444 = arith.constant 9.99999996E-13 : f32
    %max3A_1445 = vector.broadcast %max3A_1444 : f32 to vector<512xf32>
    %max3A_1446 = arith.maximumf %reduce_min3A_1443, %max3A_1445 : vector<512xf32>
    %sqrt3A_1447 = math.sqrt %max3A_1446 : vector<512xf32>
    %add3A_1448 = arith.addf %add3A_1429, %sqrt3A_1447 : vector<512xf32>
    %div3A_1449 = arith.constant 5.000000e+00 : f32
    %div3A_1450 = vector.broadcast %div3A_1449 : f32 to vector<512xf32>
    %div3A_1451 = arith.divf %add3A_1448, %div3A_1450 : vector<512xf32>
    %swap3A_1452 = arith.constant 0 : index
    %swap3A_1453 = arith.constant 0 : index
    %swap3A_1454 = arith.constant 1024 : index
    %swap3A_1455 = vector.load %arg2[%swap3A_1452, %swap3A_1453, %swap3A_1454] : memref<1x1x2048xf32, #tpu.memory_space<vmem>>, vector<1x1x512xf32>
    %swap3A_1456 = vector.shape_cast %swap3A_1455 : vector<1x1x512xf32> to vector<512xf32>
    %swap3A_1457 = vector.shape_cast %div3A_1451 : vector<512xf32> to vector<1x1x512xf32>
    tpu.vector_store %arg2[%swap3A_1452, %swap3A_1453, %swap3A_1454], %swap3A_1457 {strides = array<i32>} : memref<1x1x2048xf32, #tpu.memory_space<vmem>>, vector<1x1x512xf32>,
    %slice3A_1458 = vector.extract_strided_slice %get3A_3 {offsets = [1536, 0], sizes = [512, 768], strides = [1, 1]} : vector<2048x768xf32> to vector<512x768xf32>
    %mul3A_1459 = arith.mulf %slice3A_1458, %slice3A_1458 : vector<512x768xf32>
    %reduce_sum3A_1460 = arith.constant dense<0.000000e+00> : vector<512xf32>
    %reduce_sum3A_1461 = vector.multi_reduction <add>, %mul3A_1459, %reduce_sum3A_1460 [1] : vector<512x768xf32> to vector<512xf32>
    %dot_general3A_1462 = arith.constant dense<0.000000e+00> : vector<512x2048xf32>
    %dot_general3A_1463 = tpu.matmul %slice3A_1458, %get3A_3, %dot_general3A_1462 {dimension_numbers = #tpu.dot_dimension_numbers<[1], [1], [0], [0], [0, 0, 1, 0], [], []>, transpose_lhs_hint = false} : vector<512x768xf32>, vector<2048x768xf32>, vector<512x2048xf32> -> vector<512x2048xf32>
    %iota3A_1464 = tpu.iota {dimensions = array<i32: 0>} : vector<512x128xi32>
    %add3A_1465 = arith.constant 1536 : i32
    %add3A_1466 = vector.broadcast %add3A_1465 : i32 to vector<512x128xi32>
    %add3A_1467 = arith.addi %add3A_1466, %iota3A_1464 : vector<512x128xi32>
    %iota3A_1468 = tpu.iota {dimensions = array<i32: 1>} : vector<512x128xi32>
    %broadcast_in_dim3A_1469 = arith.constant 1.000000e+10 : f32
    %broadcast_in_dim3A_1470 = vector.broadcast %broadcast_in_dim3A_1469 : f32 to vector<512x128xf32>
    %slice3A_1471 = vector.extract_strided_slice %dot_general3A_1463 {offsets = [0, 0], sizes = [512, 128], strides = [1, 1]} : vector<512x2048xf32> to vector<512x128xf32>
    %slice3A_1472 = vector.extract_strided_slice %squeeze3A {offsets = [0], sizes = [128], strides = [1]} : vector<2048xf32> to vector<128xf32>
    %broadcast_in_dim3A_1473 = vector.shape_cast %reduce_sum3A_1461 : vector<512xf32> to vector<512x1xf32>
    %broadcast_in_dim3A_1474 = vector.shape_cast %slice3A_1472 : vector<128xf32> to vector<1x128xf32>
    %add3A_1475 = vector.broadcast %broadcast_in_dim3A_1473 : vector<512x1xf32> to vector<512x128xf32>
    %add3A_1476 = vector.broadcast %broadcast_in_dim3A_1474 : vector<1x128xf32> to vector<512x128xf32>
    %add3A_1477 = arith.addf %add3A_1475, %add3A_1476 : vector<512x128xf32>
    %mul3A_1478 = arith.constant 2.000000e+00 : f32
    %mul3A_1479 = vector.broadcast %mul3A_1478 : f32 to vector<512x128xf32>
    %mul3A_1480 = arith.mulf %mul3A_1479, %slice3A_1471 : vector<512x128xf32>
    %sub3A_1481 = arith.subf %add3A_1477, %mul3A_1480 : vector<512x128xf32>
    %max3A_1482 = arith.constant 0.000000e+00 : f32
    %max3A_1483 = vector.broadcast %max3A_1482 : f32 to vector<512x128xf32>
    %max3A_1484 = arith.maximumf %sub3A_1481, %max3A_1483 : vector<512x128xf32>
    %slice3A_1485 = vector.extract_strided_slice %dot_general3A_1463 {offsets = [0, 128], sizes = [512, 128], strides = [1, 1]} : vector<512x2048xf32> to vector<512x128xf32>
    %slice3A_1486 = vector.extract_strided_slice %squeeze3A {offsets = [128], sizes = [128], strides = [1]} : vector<2048xf32> to vector<128xf32>
    %broadcast_in_dim3A_1487 = vector.shape_cast %reduce_sum3A_1461 : vector<512xf32> to vector<512x1xf32>
    %broadcast_in_dim3A_1488 = vector.shape_cast %slice3A_1486 : vector<128xf32> to vector<1x128xf32>
    %add3A_1489 = vector.broadcast %broadcast_in_dim3A_1487 : vector<512x1xf32> to vector<512x128xf32>
    %add3A_1490 = vector.broadcast %broadcast_in_dim3A_1488 : vector<1x128xf32> to vector<512x128xf32>
    %add3A_1491 = arith.addf %add3A_1489, %add3A_1490 : vector<512x128xf32>
    %mul3A_1492 = arith.constant 2.000000e+00 : f32
    %mul3A_1493 = vector.broadcast %mul3A_1492 : f32 to vector<512x128xf32>
    %mul3A_1494 = arith.mulf %mul3A_1493, %slice3A_1485 : vector<512x128xf32>
    %sub3A_1495 = arith.subf %add3A_1491, %mul3A_1494 : vector<512x128xf32>
    %max3A_1496 = arith.constant 0.000000e+00 : f32
    %max3A_1497 = vector.broadcast %max3A_1496 : f32 to vector<512x128xf32>
    %max3A_1498 = arith.maximumf %sub3A_1495, %max3A_1497 : vector<512x128xf32>
    %min3A_1499 = arith.minimumf %max3A_1484, %max3A_1498 : vector<512x128xf32>
    %max3A_1500 = arith.maximumf %max3A_1484, %max3A_1498 : vector<512x128xf32>
    %min3A_1501 = arith.minimumf %broadcast_in_dim3A_1470, %max3A_1500 : vector<512x128xf32>
    %slice3A_1502 = vector.extract_strided_slice %dot_general3A_1463 {offsets = [0, 256], sizes = [512, 128], strides = [1, 1]} : vector<512x2048xf32> to vector<512x128xf32>
    %slice3A_1503 = vector.extract_strided_slice %squeeze3A {offsets = [256], sizes = [128], strides = [1]} : vector<2048xf32> to vector<128xf32>
    %broadcast_in_dim3A_1504 = vector.shape_cast %reduce_sum3A_1461 : vector<512xf32> to vector<512x1xf32>
    %broadcast_in_dim3A_1505 = vector.shape_cast %slice3A_1503 : vector<128xf32> to vector<1x128xf32>
    %add3A_1506 = vector.broadcast %broadcast_in_dim3A_1504 : vector<512x1xf32> to vector<512x128xf32>
    %add3A_1507 = vector.broadcast %broadcast_in_dim3A_1505 : vector<1x128xf32> to vector<512x128xf32>
    %add3A_1508 = arith.addf %add3A_1506, %add3A_1507 : vector<512x128xf32>
    %mul3A_1509 = arith.constant 2.000000e+00 : f32
    %mul3A_1510 = vector.broadcast %mul3A_1509 : f32 to vector<512x128xf32>
    %mul3A_1511 = arith.mulf %mul3A_1510, %slice3A_1502 : vector<512x128xf32>
    %sub3A_1512 = arith.subf %add3A_1508, %mul3A_1511 : vector<512x128xf32>
    %max3A_1513 = arith.constant 0.000000e+00 : f32
    %max3A_1514 = vector.broadcast %max3A_1513 : f32 to vector<512x128xf32>
    %max3A_1515 = arith.maximumf %sub3A_1512, %max3A_1514 : vector<512x128xf32>
    %min3A_1516 = arith.minimumf %min3A_1499, %max3A_1515 : vector<512x128xf32>
    %max3A_1517 = arith.maximumf %min3A_1499, %max3A_1515 : vector<512x128xf32>
    %min3A_1518 = arith.minimumf %min3A_1501, %max3A_1517 : vector<512x128xf32>
    %max3A_1519 = arith.maximumf %min3A_1501, %max3A_1517 : vector<512x128xf32>
    %min3A_1520 = arith.minimumf %broadcast_in_dim3A_1470, %max3A_1519 : vector<512x128xf32>
    %slice3A_1521 = vector.extract_strided_slice %dot_general3A_1463 {offsets = [0, 384], sizes = [512, 128], strides = [1, 1]} : vector<512x2048xf32> to vector<512x128xf32>
    %slice3A_1522 = vector.extract_strided_slice %squeeze3A {offsets = [384], sizes = [128], strides = [1]} : vector<2048xf32> to vector<128xf32>
    %broadcast_in_dim3A_1523 = vector.shape_cast %reduce_sum3A_1461 : vector<512xf32> to vector<512x1xf32>
    %broadcast_in_dim3A_1524 = vector.shape_cast %slice3A_1522 : vector<128xf32> to vector<1x128xf32>
    %add3A_1525 = vector.broadcast %broadcast_in_dim3A_1523 : vector<512x1xf32> to vector<512x128xf32>
    %add3A_1526 = vector.broadcast %broadcast_in_dim3A_1524 : vector<1x128xf32> to vector<512x128xf32>
    %add3A_1527 = arith.addf %add3A_1525, %add3A_1526 : vector<512x128xf32>
    %mul3A_1528 = arith.constant 2.000000e+00 : f32
    %mul3A_1529 = vector.broadcast %mul3A_1528 : f32 to vector<512x128xf32>
    %mul3A_1530 = arith.mulf %mul3A_1529, %slice3A_1521 : vector<512x128xf32>
    %sub3A_1531 = arith.subf %add3A_1527, %mul3A_1530 : vector<512x128xf32>
    %max3A_1532 = arith.constant 0.000000e+00 : f32
    %max3A_1533 = vector.broadcast %max3A_1532 : f32 to vector<512x128xf32>
    %max3A_1534 = arith.maximumf %sub3A_1531, %max3A_1533 : vector<512x128xf32>
    %min3A_1535 = arith.minimumf %min3A_1516, %max3A_1534 : vector<512x128xf32>
    %max3A_1536 = arith.maximumf %min3A_1516, %max3A_1534 : vector<512x128xf32>
    %min3A_1537 = arith.minimumf %min3A_1518, %max3A_1536 : vector<512x128xf32>
    %max3A_1538 = arith.maximumf %min3A_1518, %max3A_1536 : vector<512x128xf32>
    %min3A_1539 = arith.minimumf %min3A_1520, %max3A_1538 : vector<512x128xf32>
    %max3A_1540 = arith.maximumf %min3A_1520, %max3A_1538 : vector<512x128xf32>
    %min3A_1541 = arith.minimumf %broadcast_in_dim3A_1470, %max3A_1540 : vector<512x128xf32>
    %slice3A_1542 = vector.extract_strided_slice %dot_general3A_1463 {offsets = [0, 512], sizes = [512, 128], strides = [1, 1]} : vector<512x2048xf32> to vector<512x128xf32>
    %slice3A_1543 = vector.extract_strided_slice %squeeze3A {offsets = [512], sizes = [128], strides = [1]} : vector<2048xf32> to vector<128xf32>
    %broadcast_in_dim3A_1544 = vector.shape_cast %reduce_sum3A_1461 : vector<512xf32> to vector<512x1xf32>
    %broadcast_in_dim3A_1545 = vector.shape_cast %slice3A_1543 : vector<128xf32> to vector<1x128xf32>
    %add3A_1546 = vector.broadcast %broadcast_in_dim3A_1544 : vector<512x1xf32> to vector<512x128xf32>
    %add3A_1547 = vector.broadcast %broadcast_in_dim3A_1545 : vector<1x128xf32> to vector<512x128xf32>
    %add3A_1548 = arith.addf %add3A_1546, %add3A_1547 : vector<512x128xf32>
    %mul3A_1549 = arith.constant 2.000000e+00 : f32
    %mul3A_1550 = vector.broadcast %mul3A_1549 : f32 to vector<512x128xf32>
    %mul3A_1551 = arith.mulf %mul3A_1550, %slice3A_1542 : vector<512x128xf32>
    %sub3A_1552 = arith.subf %add3A_1548, %mul3A_1551 : vector<512x128xf32>
    %max3A_1553 = arith.constant 0.000000e+00 : f32
    %max3A_1554 = vector.broadcast %max3A_1553 : f32 to vector<512x128xf32>
    %max3A_1555 = arith.maximumf %sub3A_1552, %max3A_1554 : vector<512x128xf32>
    %min3A_1556 = arith.minimumf %min3A_1535, %max3A_1555 : vector<512x128xf32>
    %max3A_1557 = arith.maximumf %min3A_1535, %max3A_1555 : vector<512x128xf32>
    %min3A_1558 = arith.minimumf %min3A_1537, %max3A_1557 : vector<512x128xf32>
    %max3A_1559 = arith.maximumf %min3A_1537, %max3A_1557 : vector<512x128xf32>
    %min3A_1560 = arith.minimumf %min3A_1539, %max3A_1559 : vector<512x128xf32>
    %max3A_1561 = arith.maximumf %min3A_1539, %max3A_1559 : vector<512x128xf32>
    %min3A_1562 = arith.minimumf %min3A_1541, %max3A_1561 : vector<512x128xf32>
    %max3A_1563 = arith.maximumf %min3A_1541, %max3A_1561 : vector<512x128xf32>
    %min3A_1564 = arith.minimumf %broadcast_in_dim3A_1470, %max3A_1563 : vector<512x128xf32>
    %slice3A_1565 = vector.extract_strided_slice %dot_general3A_1463 {offsets = [0, 640], sizes = [512, 128], strides = [1, 1]} : vector<512x2048xf32> to vector<512x128xf32>
    %slice3A_1566 = vector.extract_strided_slice %squeeze3A {offsets = [640], sizes = [128], strides = [1]} : vector<2048xf32> to vector<128xf32>
    %broadcast_in_dim3A_1567 = vector.shape_cast %reduce_sum3A_1461 : vector<512xf32> to vector<512x1xf32>
    %broadcast_in_dim3A_1568 = vector.shape_cast %slice3A_1566 : vector<128xf32> to vector<1x128xf32>
    %add3A_1569 = vector.broadcast %broadcast_in_dim3A_1567 : vector<512x1xf32> to vector<512x128xf32>
    %add3A_1570 = vector.broadcast %broadcast_in_dim3A_1568 : vector<1x128xf32> to vector<512x128xf32>
    %add3A_1571 = arith.addf %add3A_1569, %add3A_1570 : vector<512x128xf32>
    %mul3A_1572 = arith.constant 2.000000e+00 : f32
    %mul3A_1573 = vector.broadcast %mul3A_1572 : f32 to vector<512x128xf32>
    %mul3A_1574 = arith.mulf %mul3A_1573, %slice3A_1565 : vector<512x128xf32>
    %sub3A_1575 = arith.subf %add3A_1571, %mul3A_1574 : vector<512x128xf32>
    %max3A_1576 = arith.constant 0.000000e+00 : f32
    %max3A_1577 = vector.broadcast %max3A_1576 : f32 to vector<512x128xf32>
    %max3A_1578 = arith.maximumf %sub3A_1575, %max3A_1577 : vector<512x128xf32>
    %min3A_1579 = arith.minimumf %min3A_1556, %max3A_1578 : vector<512x128xf32>
    %max3A_1580 = arith.maximumf %min3A_1556, %max3A_1578 : vector<512x128xf32>
    %min3A_1581 = arith.minimumf %min3A_1558, %max3A_1580 : vector<512x128xf32>
    %max3A_1582 = arith.maximumf %min3A_1558, %max3A_1580 : vector<512x128xf32>
    %min3A_1583 = arith.minimumf %min3A_1560, %max3A_1582 : vector<512x128xf32>
    %max3A_1584 = arith.maximumf %min3A_1560, %max3A_1582 : vector<512x128xf32>
    %min3A_1585 = arith.minimumf %min3A_1562, %max3A_1584 : vector<512x128xf32>
    %max3A_1586 = arith.maximumf %min3A_1562, %max3A_1584 : vector<512x128xf32>
    %min3A_1587 = arith.minimumf %min3A_1564, %max3A_1586 : vector<512x128xf32>
    %slice3A_1588 = vector.extract_strided_slice %dot_general3A_1463 {offsets = [0, 768], sizes = [512, 128], strides = [1, 1]} : vector<512x2048xf32> to vector<512x128xf32>
    %slice3A_1589 = vector.extract_strided_slice %squeeze3A {offsets = [768], sizes = [128], strides = [1]} : vector<2048xf32> to vector<128xf32>
    %broadcast_in_dim3A_1590 = vector.shape_cast %reduce_sum3A_1461 : vector<512xf32> to vector<512x1xf32>
    %broadcast_in_dim3A_1591 = vector.shape_cast %slice3A_1589 : vector<128xf32> to vector<1x128xf32>
    %add3A_1592 = vector.broadcast %broadcast_in_dim3A_1590 : vector<512x1xf32> to vector<512x128xf32>
    %add3A_1593 = vector.broadcast %broadcast_in_dim3A_1591 : vector<1x128xf32> to vector<512x128xf32>
    %add3A_1594 = arith.addf %add3A_1592, %add3A_1593 : vector<512x128xf32>
    %mul3A_1595 = arith.constant 2.000000e+00 : f32
    %mul3A_1596 = vector.broadcast %mul3A_1595 : f32 to vector<512x128xf32>
    %mul3A_1597 = arith.mulf %mul3A_1596, %slice3A_1588 : vector<512x128xf32>
    %sub3A_1598 = arith.subf %add3A_1594, %mul3A_1597 : vector<512x128xf32>
    %max3A_1599 = arith.constant 0.000000e+00 : f32
    %max3A_1600 = vector.broadcast %max3A_1599 : f32 to vector<512x128xf32>
    %max3A_1601 = arith.maximumf %sub3A_1598, %max3A_1600 : vector<512x128xf32>
    %min3A_1602 = arith.minimumf %min3A_1579, %max3A_1601 : vector<512x128xf32>
    %max3A_1603 = arith.maximumf %min3A_1579, %max3A_1601 : vector<512x128xf32>
    %min3A_1604 = arith.minimumf %min3A_1581, %max3A_1603 : vector<512x128xf32>
    %max3A_1605 = arith.maximumf %min3A_1581, %max3A_1603 : vector<512x128xf32>
    %min3A_1606 = arith.minimumf %min3A_1583, %max3A_1605 : vector<512x128xf32>
    %max3A_1607 = arith.maximumf %min3A_1583, %max3A_1605 : vector<512x128xf32>
    %min3A_1608 = arith.minimumf %min3A_1585, %max3A_1607 : vector<512x128xf32>
    %max3A_1609 = arith.maximumf %min3A_1585, %max3A_1607 : vector<512x128xf32>
    %min3A_1610 = arith.minimumf %min3A_1587, %max3A_1609 : vector<512x128xf32>
    %slice3A_1611 = vector.extract_strided_slice %dot_general3A_1463 {offsets = [0, 896], sizes = [512, 128], strides = [1, 1]} : vector<512x2048xf32> to vector<512x128xf32>
    %slice3A_1612 = vector.extract_strided_slice %squeeze3A {offsets = [896], sizes = [128], strides = [1]} : vector<2048xf32> to vector<128xf32>
    %broadcast_in_dim3A_1613 = vector.shape_cast %reduce_sum3A_1461 : vector<512xf32> to vector<512x1xf32>
    %broadcast_in_dim3A_1614 = vector.shape_cast %slice3A_1612 : vector<128xf32> to vector<1x128xf32>
    %add3A_1615 = vector.broadcast %broadcast_in_dim3A_1613 : vector<512x1xf32> to vector<512x128xf32>
    %add3A_1616 = vector.broadcast %broadcast_in_dim3A_1614 : vector<1x128xf32> to vector<512x128xf32>
    %add3A_1617 = arith.addf %add3A_1615, %add3A_1616 : vector<512x128xf32>
    %mul3A_1618 = arith.constant 2.000000e+00 : f32
    %mul3A_1619 = vector.broadcast %mul3A_1618 : f32 to vector<512x128xf32>
    %mul3A_1620 = arith.mulf %mul3A_1619, %slice3A_1611 : vector<512x128xf32>
    %sub3A_1621 = arith.subf %add3A_1617, %mul3A_1620 : vector<512x128xf32>
    %max3A_1622 = arith.constant 0.000000e+00 : f32
    %max3A_1623 = vector.broadcast %max3A_1622 : f32 to vector<512x128xf32>
    %max3A_1624 = arith.maximumf %sub3A_1621, %max3A_1623 : vector<512x128xf32>
    %min3A_1625 = arith.minimumf %min3A_1602, %max3A_1624 : vector<512x128xf32>
    %max3A_1626 = arith.maximumf %min3A_1602, %max3A_1624 : vector<512x128xf32>
    %min3A_1627 = arith.minimumf %min3A_1604, %max3A_1626 : vector<512x128xf32>
    %max3A_1628 = arith.maximumf %min3A_1604, %max3A_1626 : vector<512x128xf32>
    %min3A_1629 = arith.minimumf %min3A_1606, %max3A_1628 : vector<512x128xf32>
    %max3A_1630 = arith.maximumf %min3A_1606, %max3A_1628 : vector<512x128xf32>
    %min3A_1631 = arith.minimumf %min3A_1608, %max3A_1630 : vector<512x128xf32>
    %max3A_1632 = arith.maximumf %min3A_1608, %max3A_1630 : vector<512x128xf32>
    %min3A_1633 = arith.minimumf %min3A_1610, %max3A_1632 : vector<512x128xf32>
    %slice3A_1634 = vector.extract_strided_slice %dot_general3A_1463 {offsets = [0, 1024], sizes = [512, 128], strides = [1, 1]} : vector<512x2048xf32> to vector<512x128xf32>
    %slice3A_1635 = vector.extract_strided_slice %squeeze3A {offsets = [1024], sizes = [128], strides = [1]} : vector<2048xf32> to vector<128xf32>
    %broadcast_in_dim3A_1636 = vector.shape_cast %reduce_sum3A_1461 : vector<512xf32> to vector<512x1xf32>
    %broadcast_in_dim3A_1637 = vector.shape_cast %slice3A_1635 : vector<128xf32> to vector<1x128xf32>
    %add3A_1638 = vector.broadcast %broadcast_in_dim3A_1636 : vector<512x1xf32> to vector<512x128xf32>
    %add3A_1639 = vector.broadcast %broadcast_in_dim3A_1637 : vector<1x128xf32> to vector<512x128xf32>
    %add3A_1640 = arith.addf %add3A_1638, %add3A_1639 : vector<512x128xf32>
    %mul3A_1641 = arith.constant 2.000000e+00 : f32
    %mul3A_1642 = vector.broadcast %mul3A_1641 : f32 to vector<512x128xf32>
    %mul3A_1643 = arith.mulf %mul3A_1642, %slice3A_1634 : vector<512x128xf32>
    %sub3A_1644 = arith.subf %add3A_1640, %mul3A_1643 : vector<512x128xf32>
    %max3A_1645 = arith.constant 0.000000e+00 : f32
    %max3A_1646 = vector.broadcast %max3A_1645 : f32 to vector<512x128xf32>
    %max3A_1647 = arith.maximumf %sub3A_1644, %max3A_1646 : vector<512x128xf32>
    %min3A_1648 = arith.minimumf %min3A_1625, %max3A_1647 : vector<512x128xf32>
    %max3A_1649 = arith.maximumf %min3A_1625, %max3A_1647 : vector<512x128xf32>
    %min3A_1650 = arith.minimumf %min3A_1627, %max3A_1649 : vector<512x128xf32>
    %max3A_1651 = arith.maximumf %min3A_1627, %max3A_1649 : vector<512x128xf32>
    %min3A_1652 = arith.minimumf %min3A_1629, %max3A_1651 : vector<512x128xf32>
    %max3A_1653 = arith.maximumf %min3A_1629, %max3A_1651 : vector<512x128xf32>
    %min3A_1654 = arith.minimumf %min3A_1631, %max3A_1653 : vector<512x128xf32>
    %max3A_1655 = arith.maximumf %min3A_1631, %max3A_1653 : vector<512x128xf32>
    %min3A_1656 = arith.minimumf %min3A_1633, %max3A_1655 : vector<512x128xf32>
    %slice3A_1657 = vector.extract_strided_slice %dot_general3A_1463 {offsets = [0, 1152], sizes = [512, 128], strides = [1, 1]} : vector<512x2048xf32> to vector<512x128xf32>
    %slice3A_1658 = vector.extract_strided_slice %squeeze3A {offsets = [1152], sizes = [128], strides = [1]} : vector<2048xf32> to vector<128xf32>
    %broadcast_in_dim3A_1659 = vector.shape_cast %reduce_sum3A_1461 : vector<512xf32> to vector<512x1xf32>
    %broadcast_in_dim3A_1660 = vector.shape_cast %slice3A_1658 : vector<128xf32> to vector<1x128xf32>
    %add3A_1661 = vector.broadcast %broadcast_in_dim3A_1659 : vector<512x1xf32> to vector<512x128xf32>
    %add3A_1662 = vector.broadcast %broadcast_in_dim3A_1660 : vector<1x128xf32> to vector<512x128xf32>
    %add3A_1663 = arith.addf %add3A_1661, %add3A_1662 : vector<512x128xf32>
    %mul3A_1664 = arith.constant 2.000000e+00 : f32
    %mul3A_1665 = vector.broadcast %mul3A_1664 : f32 to vector<512x128xf32>
    %mul3A_1666 = arith.mulf %mul3A_1665, %slice3A_1657 : vector<512x128xf32>
    %sub3A_1667 = arith.subf %add3A_1663, %mul3A_1666 : vector<512x128xf32>
    %max3A_1668 = arith.constant 0.000000e+00 : f32
    %max3A_1669 = vector.broadcast %max3A_1668 : f32 to vector<512x128xf32>
    %max3A_1670 = arith.maximumf %sub3A_1667, %max3A_1669 : vector<512x128xf32>
    %min3A_1671 = arith.minimumf %min3A_1648, %max3A_1670 : vector<512x128xf32>
    %max3A_1672 = arith.maximumf %min3A_1648, %max3A_1670 : vector<512x128xf32>
    %min3A_1673 = arith.minimumf %min3A_1650, %max3A_1672 : vector<512x128xf32>
    %max3A_1674 = arith.maximumf %min3A_1650, %max3A_1672 : vector<512x128xf32>
    %min3A_1675 = arith.minimumf %min3A_1652, %max3A_1674 : vector<512x128xf32>
    %max3A_1676 = arith.maximumf %min3A_1652, %max3A_1674 : vector<512x128xf32>
    %min3A_1677 = arith.minimumf %min3A_1654, %max3A_1676 : vector<512x128xf32>
    %max3A_1678 = arith.maximumf %min3A_1654, %max3A_1676 : vector<512x128xf32>
    %min3A_1679 = arith.minimumf %min3A_1656, %max3A_1678 : vector<512x128xf32>
    %slice3A_1680 = vector.extract_strided_slice %dot_general3A_1463 {offsets = [0, 1280], sizes = [512, 128], strides = [1, 1]} : vector<512x2048xf32> to vector<512x128xf32>
    %slice3A_1681 = vector.extract_strided_slice %squeeze3A {offsets = [1280], sizes = [128], strides = [1]} : vector<2048xf32> to vector<128xf32>
    %broadcast_in_dim3A_1682 = vector.shape_cast %reduce_sum3A_1461 : vector<512xf32> to vector<512x1xf32>
    %broadcast_in_dim3A_1683 = vector.shape_cast %slice3A_1681 : vector<128xf32> to vector<1x128xf32>
    %add3A_1684 = vector.broadcast %broadcast_in_dim3A_1682 : vector<512x1xf32> to vector<512x128xf32>
    %add3A_1685 = vector.broadcast %broadcast_in_dim3A_1683 : vector<1x128xf32> to vector<512x128xf32>
    %add3A_1686 = arith.addf %add3A_1684, %add3A_1685 : vector<512x128xf32>
    %mul3A_1687 = arith.constant 2.000000e+00 : f32
    %mul3A_1688 = vector.broadcast %mul3A_1687 : f32 to vector<512x128xf32>
    %mul3A_1689 = arith.mulf %mul3A_1688, %slice3A_1680 : vector<512x128xf32>
    %sub3A_1690 = arith.subf %add3A_1686, %mul3A_1689 : vector<512x128xf32>
    %max3A_1691 = arith.constant 0.000000e+00 : f32
    %max3A_1692 = vector.broadcast %max3A_1691 : f32 to vector<512x128xf32>
    %max3A_1693 = arith.maximumf %sub3A_1690, %max3A_1692 : vector<512x128xf32>
    %min3A_1694 = arith.minimumf %min3A_1671, %max3A_1693 : vector<512x128xf32>
    %max3A_1695 = arith.maximumf %min3A_1671, %max3A_1693 : vector<512x128xf32>
    %min3A_1696 = arith.minimumf %min3A_1673, %max3A_1695 : vector<512x128xf32>
    %max3A_1697 = arith.maximumf %min3A_1673, %max3A_1695 : vector<512x128xf32>
    %min3A_1698 = arith.minimumf %min3A_1675, %max3A_1697 : vector<512x128xf32>
    %max3A_1699 = arith.maximumf %min3A_1675, %max3A_1697 : vector<512x128xf32>
    %min3A_1700 = arith.minimumf %min3A_1677, %max3A_1699 : vector<512x128xf32>
    %max3A_1701 = arith.maximumf %min3A_1677, %max3A_1699 : vector<512x128xf32>
    %min3A_1702 = arith.minimumf %min3A_1679, %max3A_1701 : vector<512x128xf32>
    %slice3A_1703 = vector.extract_strided_slice %dot_general3A_1463 {offsets = [0, 1408], sizes = [512, 128], strides = [1, 1]} : vector<512x2048xf32> to vector<512x128xf32>
    %slice3A_1704 = vector.extract_strided_slice %squeeze3A {offsets = [1408], sizes = [128], strides = [1]} : vector<2048xf32> to vector<128xf32>
    %broadcast_in_dim3A_1705 = vector.shape_cast %reduce_sum3A_1461 : vector<512xf32> to vector<512x1xf32>
    %broadcast_in_dim3A_1706 = vector.shape_cast %slice3A_1704 : vector<128xf32> to vector<1x128xf32>
    %add3A_1707 = vector.broadcast %broadcast_in_dim3A_1705 : vector<512x1xf32> to vector<512x128xf32>
    %add3A_1708 = vector.broadcast %broadcast_in_dim3A_1706 : vector<1x128xf32> to vector<512x128xf32>
    %add3A_1709 = arith.addf %add3A_1707, %add3A_1708 : vector<512x128xf32>
    %mul3A_1710 = arith.constant 2.000000e+00 : f32
    %mul3A_1711 = vector.broadcast %mul3A_1710 : f32 to vector<512x128xf32>
    %mul3A_1712 = arith.mulf %mul3A_1711, %slice3A_1703 : vector<512x128xf32>
    %sub3A_1713 = arith.subf %add3A_1709, %mul3A_1712 : vector<512x128xf32>
    %max3A_1714 = arith.constant 0.000000e+00 : f32
    %max3A_1715 = vector.broadcast %max3A_1714 : f32 to vector<512x128xf32>
    %max3A_1716 = arith.maximumf %sub3A_1713, %max3A_1715 : vector<512x128xf32>
    %min3A_1717 = arith.minimumf %min3A_1694, %max3A_1716 : vector<512x128xf32>
    %max3A_1718 = arith.maximumf %min3A_1694, %max3A_1716 : vector<512x128xf32>
    %min3A_1719 = arith.minimumf %min3A_1696, %max3A_1718 : vector<512x128xf32>
    %max3A_1720 = arith.maximumf %min3A_1696, %max3A_1718 : vector<512x128xf32>
    %min3A_1721 = arith.minimumf %min3A_1698, %max3A_1720 : vector<512x128xf32>
    %max3A_1722 = arith.maximumf %min3A_1698, %max3A_1720 : vector<512x128xf32>
    %min3A_1723 = arith.minimumf %min3A_1700, %max3A_1722 : vector<512x128xf32>
    %max3A_1724 = arith.maximumf %min3A_1700, %max3A_1722 : vector<512x128xf32>
    %min3A_1725 = arith.minimumf %min3A_1702, %max3A_1724 : vector<512x128xf32>
    %slice3A_1726 = vector.extract_strided_slice %dot_general3A_1463 {offsets = [0, 1536], sizes = [512, 128], strides = [1, 1]} : vector<512x2048xf32> to vector<512x128xf32>
    %slice3A_1727 = vector.extract_strided_slice %squeeze3A {offsets = [1536], sizes = [128], strides = [1]} : vector<2048xf32> to vector<128xf32>
    %broadcast_in_dim3A_1728 = vector.shape_cast %reduce_sum3A_1461 : vector<512xf32> to vector<512x1xf32>
    %broadcast_in_dim3A_1729 = vector.shape_cast %slice3A_1727 : vector<128xf32> to vector<1x128xf32>
    %add3A_1730 = vector.broadcast %broadcast_in_dim3A_1728 : vector<512x1xf32> to vector<512x128xf32>
    %add3A_1731 = vector.broadcast %broadcast_in_dim3A_1729 : vector<1x128xf32> to vector<512x128xf32>
    %add3A_1732 = arith.addf %add3A_1730, %add3A_1731 : vector<512x128xf32>
    %mul3A_1733 = arith.constant 2.000000e+00 : f32
    %mul3A_1734 = vector.broadcast %mul3A_1733 : f32 to vector<512x128xf32>
    %mul3A_1735 = arith.mulf %mul3A_1734, %slice3A_1726 : vector<512x128xf32>
    %sub3A_1736 = arith.subf %add3A_1732, %mul3A_1735 : vector<512x128xf32>
    %max3A_1737 = arith.constant 0.000000e+00 : f32
    %max3A_1738 = vector.broadcast %max3A_1737 : f32 to vector<512x128xf32>
    %max3A_1739 = arith.maximumf %sub3A_1736, %max3A_1738 : vector<512x128xf32>
    %add3A_1740 = arith.constant 1536 : i32
    %add3A_1741 = vector.broadcast %add3A_1740 : i32 to vector<512x128xi32>
    %add3A_1742 = arith.addi %add3A_1741, %iota3A_1468 : vector<512x128xi32>
    %eq3A_1743 = arith.cmpi eq, %add3A_1467, %add3A_1742 : vector<512x128xi32>
    %jit3A_1744 = arith.constant 1.000000e+10 : f32
    %broadcast_in_dim3A_1745 = vector.broadcast %jit3A_1744 : f32 to vector<512x128xf32>
    %select_n3A_1746 = arith.select %eq3A_1743, %broadcast_in_dim3A_1745, %max3A_1739 : vector<512x128xi1>, vector<512x128xf32>
    %min3A_1747 = arith.minimumf %min3A_1717, %select_n3A_1746 : vector<512x128xf32>
    %max3A_1748 = arith.maximumf %min3A_1717, %select_n3A_1746 : vector<512x128xf32>
    %min3A_1749 = arith.minimumf %min3A_1719, %max3A_1748 : vector<512x128xf32>
    %max3A_1750 = arith.maximumf %min3A_1719, %max3A_1748 : vector<512x128xf32>
    %min3A_1751 = arith.minimumf %min3A_1721, %max3A_1750 : vector<512x128xf32>
    %max3A_1752 = arith.maximumf %min3A_1721, %max3A_1750 : vector<512x128xf32>
    %min3A_1753 = arith.minimumf %min3A_1723, %max3A_1752 : vector<512x128xf32>
    %max3A_1754 = arith.maximumf %min3A_1723, %max3A_1752 : vector<512x128xf32>
    %min3A_1755 = arith.minimumf %min3A_1725, %max3A_1754 : vector<512x128xf32>
    %slice3A_1756 = vector.extract_strided_slice %dot_general3A_1463 {offsets = [0, 1664], sizes = [512, 128], strides = [1, 1]} : vector<512x2048xf32> to vector<512x128xf32>
    %slice3A_1757 = vector.extract_strided_slice %squeeze3A {offsets = [1664], sizes = [128], strides = [1]} : vector<2048xf32> to vector<128xf32>
    %broadcast_in_dim3A_1758 = vector.shape_cast %reduce_sum3A_1461 : vector<512xf32> to vector<512x1xf32>
    %broadcast_in_dim3A_1759 = vector.shape_cast %slice3A_1757 : vector<128xf32> to vector<1x128xf32>
    %add3A_1760 = vector.broadcast %broadcast_in_dim3A_1758 : vector<512x1xf32> to vector<512x128xf32>
    %add3A_1761 = vector.broadcast %broadcast_in_dim3A_1759 : vector<1x128xf32> to vector<512x128xf32>
    %add3A_1762 = arith.addf %add3A_1760, %add3A_1761 : vector<512x128xf32>
    %mul3A_1763 = arith.constant 2.000000e+00 : f32
    %mul3A_1764 = vector.broadcast %mul3A_1763 : f32 to vector<512x128xf32>
    %mul3A_1765 = arith.mulf %mul3A_1764, %slice3A_1756 : vector<512x128xf32>
    %sub3A_1766 = arith.subf %add3A_1762, %mul3A_1765 : vector<512x128xf32>
    %max3A_1767 = arith.constant 0.000000e+00 : f32
    %max3A_1768 = vector.broadcast %max3A_1767 : f32 to vector<512x128xf32>
    %max3A_1769 = arith.maximumf %sub3A_1766, %max3A_1768 : vector<512x128xf32>
    %add3A_1770 = arith.constant 1664 : i32
    %add3A_1771 = vector.broadcast %add3A_1770 : i32 to vector<512x128xi32>
    %add3A_1772 = arith.addi %add3A_1771, %iota3A_1468 : vector<512x128xi32>
    %eq3A_1773 = arith.cmpi eq, %add3A_1467, %add3A_1772 : vector<512x128xi32>
    %jit3A_1774 = arith.constant 1.000000e+10 : f32
    %broadcast_in_dim3A_1775 = vector.broadcast %jit3A_1774 : f32 to vector<512x128xf32>
    %select_n3A_1776 = arith.select %eq3A_1773, %broadcast_in_dim3A_1775, %max3A_1769 : vector<512x128xi1>, vector<512x128xf32>
    %min3A_1777 = arith.minimumf %min3A_1747, %select_n3A_1776 : vector<512x128xf32>
    %max3A_1778 = arith.maximumf %min3A_1747, %select_n3A_1776 : vector<512x128xf32>
    %min3A_1779 = arith.minimumf %min3A_1749, %max3A_1778 : vector<512x128xf32>
    %max3A_1780 = arith.maximumf %min3A_1749, %max3A_1778 : vector<512x128xf32>
    %min3A_1781 = arith.minimumf %min3A_1751, %max3A_1780 : vector<512x128xf32>
    %max3A_1782 = arith.maximumf %min3A_1751, %max3A_1780 : vector<512x128xf32>
    %min3A_1783 = arith.minimumf %min3A_1753, %max3A_1782 : vector<512x128xf32>
    %max3A_1784 = arith.maximumf %min3A_1753, %max3A_1782 : vector<512x128xf32>
    %min3A_1785 = arith.minimumf %min3A_1755, %max3A_1784 : vector<512x128xf32>
    %slice3A_1786 = vector.extract_strided_slice %dot_general3A_1463 {offsets = [0, 1792], sizes = [512, 128], strides = [1, 1]} : vector<512x2048xf32> to vector<512x128xf32>
    %slice3A_1787 = vector.extract_strided_slice %squeeze3A {offsets = [1792], sizes = [128], strides = [1]} : vector<2048xf32> to vector<128xf32>
    %broadcast_in_dim3A_1788 = vector.shape_cast %reduce_sum3A_1461 : vector<512xf32> to vector<512x1xf32>
    %broadcast_in_dim3A_1789 = vector.shape_cast %slice3A_1787 : vector<128xf32> to vector<1x128xf32>
    %add3A_1790 = vector.broadcast %broadcast_in_dim3A_1788 : vector<512x1xf32> to vector<512x128xf32>
    %add3A_1791 = vector.broadcast %broadcast_in_dim3A_1789 : vector<1x128xf32> to vector<512x128xf32>
    %add3A_1792 = arith.addf %add3A_1790, %add3A_1791 : vector<512x128xf32>
    %mul3A_1793 = arith.constant 2.000000e+00 : f32
    %mul3A_1794 = vector.broadcast %mul3A_1793 : f32 to vector<512x128xf32>
    %mul3A_1795 = arith.mulf %mul3A_1794, %slice3A_1786 : vector<512x128xf32>
    %sub3A_1796 = arith.subf %add3A_1792, %mul3A_1795 : vector<512x128xf32>
    %max3A_1797 = arith.constant 0.000000e+00 : f32
    %max3A_1798 = vector.broadcast %max3A_1797 : f32 to vector<512x128xf32>
    %max3A_1799 = arith.maximumf %sub3A_1796, %max3A_1798 : vector<512x128xf32>
    %add3A_1800 = arith.constant 1792 : i32
    %add3A_1801 = vector.broadcast %add3A_1800 : i32 to vector<512x128xi32>
    %add3A_1802 = arith.addi %add3A_1801, %iota3A_1468 : vector<512x128xi32>
    %eq3A_1803 = arith.cmpi eq, %add3A_1467, %add3A_1802 : vector<512x128xi32>
    %jit3A_1804 = arith.constant 1.000000e+10 : f32
    %broadcast_in_dim3A_1805 = vector.broadcast %jit3A_1804 : f32 to vector<512x128xf32>
    %select_n3A_1806 = arith.select %eq3A_1803, %broadcast_in_dim3A_1805, %max3A_1799 : vector<512x128xi1>, vector<512x128xf32>
    %min3A_1807 = arith.minimumf %min3A_1777, %select_n3A_1806 : vector<512x128xf32>
    %max3A_1808 = arith.maximumf %min3A_1777, %select_n3A_1806 : vector<512x128xf32>
    %min3A_1809 = arith.minimumf %min3A_1779, %max3A_1808 : vector<512x128xf32>
    %max3A_1810 = arith.maximumf %min3A_1779, %max3A_1808 : vector<512x128xf32>
    %min3A_1811 = arith.minimumf %min3A_1781, %max3A_1810 : vector<512x128xf32>
    %max3A_1812 = arith.maximumf %min3A_1781, %max3A_1810 : vector<512x128xf32>
    %min3A_1813 = arith.minimumf %min3A_1783, %max3A_1812 : vector<512x128xf32>
    %max3A_1814 = arith.maximumf %min3A_1783, %max3A_1812 : vector<512x128xf32>
    %min3A_1815 = arith.minimumf %min3A_1785, %max3A_1814 : vector<512x128xf32>
    %slice3A_1816 = vector.extract_strided_slice %dot_general3A_1463 {offsets = [0, 1920], sizes = [512, 128], strides = [1, 1]} : vector<512x2048xf32> to vector<512x128xf32>
    %slice3A_1817 = vector.extract_strided_slice %squeeze3A {offsets = [1920], sizes = [128], strides = [1]} : vector<2048xf32> to vector<128xf32>
    %broadcast_in_dim3A_1818 = vector.shape_cast %reduce_sum3A_1461 : vector<512xf32> to vector<512x1xf32>
    %broadcast_in_dim3A_1819 = vector.shape_cast %slice3A_1817 : vector<128xf32> to vector<1x128xf32>
    %add3A_1820 = vector.broadcast %broadcast_in_dim3A_1818 : vector<512x1xf32> to vector<512x128xf32>
    %add3A_1821 = vector.broadcast %broadcast_in_dim3A_1819 : vector<1x128xf32> to vector<512x128xf32>
    %add3A_1822 = arith.addf %add3A_1820, %add3A_1821 : vector<512x128xf32>
    %mul3A_1823 = arith.constant 2.000000e+00 : f32
    %mul3A_1824 = vector.broadcast %mul3A_1823 : f32 to vector<512x128xf32>
    %mul3A_1825 = arith.mulf %mul3A_1824, %slice3A_1816 : vector<512x128xf32>
    %sub3A_1826 = arith.subf %add3A_1822, %mul3A_1825 : vector<512x128xf32>
    %max3A_1827 = arith.constant 0.000000e+00 : f32
    %max3A_1828 = vector.broadcast %max3A_1827 : f32 to vector<512x128xf32>
    %max3A_1829 = arith.maximumf %sub3A_1826, %max3A_1828 : vector<512x128xf32>
    %add3A_1830 = arith.constant 1920 : i32
    %add3A_1831 = vector.broadcast %add3A_1830 : i32 to vector<512x128xi32>
    %add3A_1832 = arith.addi %add3A_1831, %iota3A_1468 : vector<512x128xi32>
    %eq3A_1833 = arith.cmpi eq, %add3A_1467, %add3A_1832 : vector<512x128xi32>
    %jit3A_1834 = arith.constant 1.000000e+10 : f32
    %broadcast_in_dim3A_1835 = vector.broadcast %jit3A_1834 : f32 to vector<512x128xf32>
    %select_n3A_1836 = arith.select %eq3A_1833, %broadcast_in_dim3A_1835, %max3A_1829 : vector<512x128xi1>, vector<512x128xf32>
    %min3A_1837 = arith.minimumf %min3A_1807, %select_n3A_1836 : vector<512x128xf32>
    %max3A_1838 = arith.maximumf %min3A_1807, %select_n3A_1836 : vector<512x128xf32>
    %min3A_1839 = arith.minimumf %min3A_1809, %max3A_1838 : vector<512x128xf32>
    %max3A_1840 = arith.maximumf %min3A_1809, %max3A_1838 : vector<512x128xf32>
    %min3A_1841 = arith.minimumf %min3A_1811, %max3A_1840 : vector<512x128xf32>
    %max3A_1842 = arith.maximumf %min3A_1811, %max3A_1840 : vector<512x128xf32>
    %min3A_1843 = arith.minimumf %min3A_1813, %max3A_1842 : vector<512x128xf32>
    %max3A_1844 = arith.maximumf %min3A_1813, %max3A_1842 : vector<512x128xf32>
    %min3A_1845 = arith.minimumf %min3A_1815, %max3A_1844 : vector<512x128xf32>
    %iota3A_1846 = tpu.iota {dimensions = array<i32: 1>} : vector<512x128xi32>
    %broadcast_in_dim3A_1847 = arith.constant 0.000000e+00 : f32
    %broadcast_in_dim3A_1848 = vector.broadcast %broadcast_in_dim3A_1847 : f32 to vector<512xf32>
    %reduce_min3A_1849 = arith.constant dense<0x7F800000> : vector<512xf32>
    %reduce_min3A_1850 = vector.multi_reduction <minimumf>, %min3A_1837, %reduce_min3A_1849 [1] : vector<512x128xf32> to vector<512xf32>
    %max3A_1851 = arith.constant 9.99999996E-13 : f32
    %max3A_1852 = vector.broadcast %max3A_1851 : f32 to vector<512xf32>
    %max3A_1853 = arith.maximumf %reduce_min3A_1850, %max3A_1852 : vector<512xf32>
    %sqrt3A_1854 = math.sqrt %max3A_1853 : vector<512xf32>
    %add3A_1855 = arith.addf %broadcast_in_dim3A_1848, %sqrt3A_1854 : vector<512xf32>
    %broadcast_in_dim3A_1856 = vector.shape_cast %reduce_min3A_1850 : vector<512xf32> to vector<512x1xf32>
    %eq3A_1857 = vector.broadcast %broadcast_in_dim3A_1856 : vector<512x1xf32> to vector<512x128xf32>
    %eq3A_1858 = arith.cmpf oeq, %min3A_1837, %eq3A_1857 : vector<512x128xf32>
    %jit3A_1859 = arith.constant 128 : i32
    %broadcast_in_dim3A_1860 = vector.broadcast %jit3A_1859 : i32 to vector<512x128xi32>
    %select_n3A_1861 = arith.select %eq3A_1858, %iota3A_1846, %broadcast_in_dim3A_1860 : vector<512x128xi1>, vector<512x128xi32>
    %reduce_min3A_1862 = arith.constant dense<2147483647> : vector<512xi32>
    %reduce_min3A_1863 = vector.multi_reduction <minsi>, %select_n3A_1861, %reduce_min3A_1862 [1] : vector<512x128xi32> to vector<512xi32>
    %broadcast_in_dim3A_1864 = vector.shape_cast %reduce_min3A_1863 : vector<512xi32> to vector<512x1xi32>
    %eq3A_1865 = vector.broadcast %broadcast_in_dim3A_1864 : vector<512x1xi32> to vector<512x128xi32>
    %eq3A_1866 = arith.cmpi eq, %iota3A_1846, %eq3A_1865 : vector<512x128xi32>
    %select_n3A_1867 = arith.select %eq3A_1866, %min3A_1839, %min3A_1837 : vector<512x128xi1>, vector<512x128xf32>
    %select_n3A_1868 = arith.select %eq3A_1866, %min3A_1841, %min3A_1839 : vector<512x128xi1>, vector<512x128xf32>
    %select_n3A_1869 = arith.select %eq3A_1866, %min3A_1843, %min3A_1841 : vector<512x128xi1>, vector<512x128xf32>
    %select_n3A_1870 = arith.select %eq3A_1866, %min3A_1845, %min3A_1843 : vector<512x128xi1>, vector<512x128xf32>
    %reduce_min3A_1871 = arith.constant dense<0x7F800000> : vector<512xf32>
    %reduce_min3A_1872 = vector.multi_reduction <minimumf>, %select_n3A_1867, %reduce_min3A_1871 [1] : vector<512x128xf32> to vector<512xf32>
    %max3A_1873 = arith.constant 9.99999996E-13 : f32
    %max3A_1874 = vector.broadcast %max3A_1873 : f32 to vector<512xf32>
    %max3A_1875 = arith.maximumf %reduce_min3A_1872, %max3A_1874 : vector<512xf32>
    %sqrt3A_1876 = math.sqrt %max3A_1875 : vector<512xf32>
    %add3A_1877 = arith.addf %add3A_1855, %sqrt3A_1876 : vector<512xf32>
    %broadcast_in_dim3A_1878 = vector.shape_cast %reduce_min3A_1872 : vector<512xf32> to vector<512x1xf32>
    %eq3A_1879 = vector.broadcast %broadcast_in_dim3A_1878 : vector<512x1xf32> to vector<512x128xf32>
    %eq3A_1880 = arith.cmpf oeq, %select_n3A_1867, %eq3A_1879 : vector<512x128xf32>
    %jit3A_1881 = arith.constant 128 : i32
    %broadcast_in_dim3A_1882 = vector.broadcast %jit3A_1881 : i32 to vector<512x128xi32>
    %select_n3A_1883 = arith.select %eq3A_1880, %iota3A_1846, %broadcast_in_dim3A_1882 : vector<512x128xi1>, vector<512x128xi32>
    %reduce_min3A_1884 = arith.constant dense<2147483647> : vector<512xi32>
    %reduce_min3A_1885 = vector.multi_reduction <minsi>, %select_n3A_1883, %reduce_min3A_1884 [1] : vector<512x128xi32> to vector<512xi32>
    %broadcast_in_dim3A_1886 = vector.shape_cast %reduce_min3A_1885 : vector<512xi32> to vector<512x1xi32>
    %eq3A_1887 = vector.broadcast %broadcast_in_dim3A_1886 : vector<512x1xi32> to vector<512x128xi32>
    %eq3A_1888 = arith.cmpi eq, %iota3A_1846, %eq3A_1887 : vector<512x128xi32>
    %select_n3A_1889 = arith.select %eq3A_1888, %select_n3A_1868, %select_n3A_1867 : vector<512x128xi1>, vector<512x128xf32>
    %select_n3A_1890 = arith.select %eq3A_1888, %select_n3A_1869, %select_n3A_1868 : vector<512x128xi1>, vector<512x128xf32>
    %select_n3A_1891 = arith.select %eq3A_1888, %select_n3A_1870, %select_n3A_1869 : vector<512x128xi1>, vector<512x128xf32>
    %reduce_min3A_1892 = arith.constant dense<0x7F800000> : vector<512xf32>
    %reduce_min3A_1893 = vector.multi_reduction <minimumf>, %select_n3A_1889, %reduce_min3A_1892 [1] : vector<512x128xf32> to vector<512xf32>
    %max3A_1894 = arith.constant 9.99999996E-13 : f32
    %max3A_1895 = vector.broadcast %max3A_1894 : f32 to vector<512xf32>
    %max3A_1896 = arith.maximumf %reduce_min3A_1893, %max3A_1895 : vector<512xf32>
    %sqrt3A_1897 = math.sqrt %max3A_1896 : vector<512xf32>
    %add3A_1898 = arith.addf %add3A_1877, %sqrt3A_1897 : vector<512xf32>
    %broadcast_in_dim3A_1899 = vector.shape_cast %reduce_min3A_1893 : vector<512xf32> to vector<512x1xf32>
    %eq3A_1900 = vector.broadcast %broadcast_in_dim3A_1899 : vector<512x1xf32> to vector<512x128xf32>
    %eq3A_1901 = arith.cmpf oeq, %select_n3A_1889, %eq3A_1900 : vector<512x128xf32>
    %jit3A_1902 = arith.constant 128 : i32
    %broadcast_in_dim3A_1903 = vector.broadcast %jit3A_1902 : i32 to vector<512x128xi32>
    %select_n3A_1904 = arith.select %eq3A_1901, %iota3A_1846, %broadcast_in_dim3A_1903 : vector<512x128xi1>, vector<512x128xi32>
    %reduce_min3A_1905 = arith.constant dense<2147483647> : vector<512xi32>
    %reduce_min3A_1906 = vector.multi_reduction <minsi>, %select_n3A_1904, %reduce_min3A_1905 [1] : vector<512x128xi32> to vector<512xi32>
    %broadcast_in_dim3A_1907 = vector.shape_cast %reduce_min3A_1906 : vector<512xi32> to vector<512x1xi32>
    %eq3A_1908 = vector.broadcast %broadcast_in_dim3A_1907 : vector<512x1xi32> to vector<512x128xi32>
    %eq3A_1909 = arith.cmpi eq, %iota3A_1846, %eq3A_1908 : vector<512x128xi32>
    %select_n3A_1910 = arith.select %eq3A_1909, %select_n3A_1890, %select_n3A_1889 : vector<512x128xi1>, vector<512x128xf32>
    %select_n3A_1911 = arith.select %eq3A_1909, %select_n3A_1891, %select_n3A_1890 : vector<512x128xi1>, vector<512x128xf32>
    %reduce_min3A_1912 = arith.constant dense<0x7F800000> : vector<512xf32>
    %reduce_min3A_1913 = vector.multi_reduction <minimumf>, %select_n3A_1910, %reduce_min3A_1912 [1] : vector<512x128xf32> to vector<512xf32>
    %max3A_1914 = arith.constant 9.99999996E-13 : f32
    %max3A_1915 = vector.broadcast %max3A_1914 : f32 to vector<512xf32>
    %max3A_1916 = arith.maximumf %reduce_min3A_1913, %max3A_1915 : vector<512xf32>
    %sqrt3A_1917 = math.sqrt %max3A_1916 : vector<512xf32>
    %add3A_1918 = arith.addf %add3A_1898, %sqrt3A_1917 : vector<512xf32>
    %broadcast_in_dim3A_1919 = vector.shape_cast %reduce_min3A_1913 : vector<512xf32> to vector<512x1xf32>
    %eq3A_1920 = vector.broadcast %broadcast_in_dim3A_1919 : vector<512x1xf32> to vector<512x128xf32>
    %eq3A_1921 = arith.cmpf oeq, %select_n3A_1910, %eq3A_1920 : vector<512x128xf32>
    %jit3A_1922 = arith.constant 128 : i32
    %broadcast_in_dim3A_1923 = vector.broadcast %jit3A_1922 : i32 to vector<512x128xi32>
    %select_n3A_1924 = arith.select %eq3A_1921, %iota3A_1846, %broadcast_in_dim3A_1923 : vector<512x128xi1>, vector<512x128xi32>
    %reduce_min3A_1925 = arith.constant dense<2147483647> : vector<512xi32>
    %reduce_min3A_1926 = vector.multi_reduction <minsi>, %select_n3A_1924, %reduce_min3A_1925 [1] : vector<512x128xi32> to vector<512xi32>
    %broadcast_in_dim3A_1927 = vector.shape_cast %reduce_min3A_1926 : vector<512xi32> to vector<512x1xi32>
    %eq3A_1928 = vector.broadcast %broadcast_in_dim3A_1927 : vector<512x1xi32> to vector<512x128xi32>
    %eq3A_1929 = arith.cmpi eq, %iota3A_1846, %eq3A_1928 : vector<512x128xi32>
    %select_n3A_1930 = arith.select %eq3A_1929, %select_n3A_1911, %select_n3A_1910 : vector<512x128xi1>, vector<512x128xf32>
    %reduce_min3A_1931 = arith.constant dense<0x7F800000> : vector<512xf32>
    %reduce_min3A_1932 = vector.multi_reduction <minimumf>, %select_n3A_1930, %reduce_min3A_1931 [1] : vector<512x128xf32> to vector<512xf32>
    %max3A_1933 = arith.constant 9.99999996E-13 : f32
    %max3A_1934 = vector.broadcast %max3A_1933 : f32 to vector<512xf32>
    %max3A_1935 = arith.maximumf %reduce_min3A_1932, %max3A_1934 : vector<512xf32>
    %sqrt3A_1936 = math.sqrt %max3A_1935 : vector<512xf32>
    %add3A_1937 = arith.addf %add3A_1918, %sqrt3A_1936 : vector<512xf32>
    %div3A_1938 = arith.constant 5.000000e+00 : f32
    %div3A_1939 = vector.broadcast %div3A_1938 : f32 to vector<512xf32>
    %div3A_1940 = arith.divf %add3A_1937, %div3A_1939 : vector<512xf32>
    %swap3A_1941 = arith.constant 0 : index
    %swap3A_1942 = arith.constant 0 : index
    %swap3A_1943 = arith.constant 1536 : index
    %swap3A_1944 = vector.load %arg2[%swap3A_1941, %swap3A_1942, %swap3A_1943] : memref<1x1x2048xf32, #tpu.memory_space<vmem>>, vector<1x1x512xf32>
    %swap3A_1945 = vector.shape_cast %swap3A_1944 : vector<1x1x512xf32> to vector<512xf32>
    %swap3A_1946 = vector.shape_cast %div3A_1940 : vector<512xf32> to vector<1x1x512xf32>
    tpu.vector_store %arg2[%swap3A_1941, %swap3A_1942, %swap3A_1943], %swap3A_1946 {strides = array<i32>} : memref<1x1x2048xf32, #tpu.memory_space<vmem>>, vector<1x1x512xf32>,
    return
  }
  func.func @transform_0(%arg0: i32) -> (i32, i32, i32) {
    %c0_i32 = arith.constant 0 : i32
    %c0_i32_0 = arith.constant 0 : i32
    %c0_i32_1 = arith.constant 0 : i32
    return %arg0, %c0_i32, %c0_i32_0 : i32, i32, i32
  }
  func.func @transform_1(%arg0: i32) -> (i32, i32, i32) {
    %c0_i32 = arith.constant 0 : i32
    %c0_i32_0 = arith.constant 0 : i32
    %c0_i32_1 = arith.constant 0 : i32
    return %arg0, %c0_i32, %c0_i32_0 : i32, i32, i32
  }
}

</mosaic_0001>

<sc_bundles>
// kernel: kernel.4.cloned.1.call-start
scs
__scs_entry_jumppad:
0x0: {  	(pc) =	sbr.rel $0x88, $3  }
0x1: {  	(tag) =	ssettag $0x0;
	lr =	simm.s32 $0x1  }
0x2: {  	[smem:$0x3FA0] =	sst lr;
	_ =	strace $0xD0000000  }
0x3: {  	_ = 	snop  }
0x4: {  	_ = 	snop  }
0x5: {  	_ = 	snop  }
0x6: {  	_ = 	snop  }
0x7: {  	_ = 	snop  }
__scs_overlays_trampoline_lowered:
0x8: {  	[smem:$0x3FAF] =	sst s0  }
0x9: {  	[smem:$0x3FB0] =	sst s1  }
0xa: {  	[smem:$0x3FB1] =	sst s2  }
0xb: {  	[smem:$0x3FB2] =	sst s3  }
0xc: {  	[smem:$0x3FB3] =	sst s4  }
0xd: {  	[smem:$0x3FB4] =	sst s5  }
0xe: {  	[smem:$0x3FB5] =	sst s6  }
0xf: {  	[smem:$0x3FB6] =	sst s7  }
0x10: {  	[smem:$0x3FB7] =	sst s8  }
0x11: {  	[smem:$0x3FB8] =	sst s9;
	s0 =	simm.s32 @!p0 $0x0  }
0x12: {  	s1 =	sld [smem:$0x3F9E];
	s0 =	simm.s32 @p0 $0x1  }
0x13: {  	[smem:$0x3FB9] =	sst s0;
	s0 =	simm.s32 @!p1 $0x0  }
0x14: {  	s2 =	sld [smem:$0x3F9D];
	s0 =	simm.s32 @p1 $0x1  }
0x15: {  	[smem:$0x3FBA] =	sst s0;
	s0 =	simm.s32 @!p2 $0x0  }
0x16: {  	s3 =	sld [smem:$0x3FDB];
	s0 =	simm.s32 @p2 $0x1  }
0x17: {  	s4 =	simm.s32 $0x1BF5;
	[smem:$0x3FBC] =	sst s0  }
0x18: {  	s0 =	sld [smem:$0x3F9F];
	_ =	swait.ge [sflag:s4], $0x0  }
0x19: {  	s7 =	sld [smem:$0x3FA0]  }
0x1a: {  	s8 =	sadd.s32 $0xFFFFE003, lr  }
0x1b: {  	s9 =	sadd.s32 $0xFFFFFEF7, lr;
	s5 =	simm.s32 $0xFFFFFFFF;
	p2 =	slt.u32 s8, $0xFFFFF086  }
0x1c: {  	p1 =	slt.u32 s9, $0xF7A;
	s5 =	simm.s32 @!p2 $0x0  }
0x1d: {  	s5 =	simm.s32 @p1 $0x1;
	p0 =	seq.s32 s7, s2  }
0x1e: {  	s7 =	smul.u32 @!p0 $0xF7A, s2;
	p2 =	seq.s32 @!p0 s5, $0x0  }
0x1f: {  	s9 =	smul.u32 $0xF7A, s1;
	s8 =	simm.s32 @!p0 $0x1BF5;
	p2 =	por !p2, p0  }
0x20: {  	[sflag:s8] =	ssyncset.s32 @!p0 $0xFFFFF086;
	s6 =	sadd.s32 @!p0 s3, s7;
	s7 =	simm.s32 @!p0 $0x108  }
0x21: {  	s3 =	sadd.s32 s3, s9;
	s6 =	sadd.s32 @!p0 $0x88, s6;
	s7 =	simm.s32 @p2 $0x1082  }
0x22: {  	[simem:s7], [sflag:s8] =	dma.local @!p0 [hbm:s6], $0xF7A  }
0x23: {  	s9 =	sor.u32 $0xD0000000, s2;
	s6 =	simm.s32 $0x108;
	_ =	swait.ge @!p0 [sflag:s8], $0x0  }
0x24: {  	s3 =	sadd.s32 $0x88, s3;
	s6 =	simm.s32 @!p1 $0x1082;
	[sflag:s4] =	ssyncset.s32 $0xFFFFF086  }
0x25: {  	[simem:s6], [sflag:s4] =	dma.local [hbm:s3], $0xF7A  }
0x26: {  	[smem:$0x3FA0] =	sst s1;
	(tag) =	ssettag s2;
	_ =	strace s9  }
0x27: {  	s1 =	sld [smem:$0x3FB0]  }
0x28: {  	s2 =	sld [smem:$0x3FB1]  }
0x29: {  	s4 =	sld [smem:$0x3FB3]  }
0x2a: {  	p0 =	seq.s32 s5, $0x0;
	s5 =	sld [smem:$0x3FB4]  }
0x2b: {  	s6 =	sld [smem:$0x3FB5]  }
0x2c: {  	s7 =	sld [smem:$0x3FB6]  }
0x2d: {  	s3 =	simm.s32 $0x108;
	s8 =	sld [smem:$0x3FB7]  }
0x2e: {  	s3 =	simm.s32 @!p0 $0x1082;
	s9 =	sld [smem:$0x3FB8]  }
0x2f: {  	lr =	sadd.s32 s0, s3;
	s0 =	sld [smem:$0x3FAF]  }
0x30: {  	s3 =	sld [smem:$0x3FB2]  }
0x31: {  	[smem:$0x3FBB] =	sst s10  }
0x32: {  	s10 =	sld [smem:$0x3FB9];
	_ =	sdelay $0x3  }
0x33: {  	p0 =	seq.s32 s10, $0x1;
	s10 =	sld [smem:$0x3FBB];
	_ =	sdelay $0x3  }
0x34: {  	[smem:$0x3FBB] =	sst s10  }
0x35: {  	s10 =	sld [smem:$0x3FBA];
	_ =	sdelay $0x3  }
0x36: {  	p1 =	seq.s32 s10, $0x1;
	s10 =	sld [smem:$0x3FBB];
	_ =	sdelay $0x3  }
0x37: {  	[smem:$0x3FBB] =	sst s10  }
0x38: {  	s10 =	sld [smem:$0x3FBC]  }
0x39: {  	_ = 	snop;
	(pc) =	sbr.ind lr, $3  }
0x3a: {  	_ = 	snop  }
0x3b: {  	_ = 	snop  }
0x3c: {  	p2 =	seq.s32 s10, $0x1;
	s10 =	sld [smem:$0x3FBB]  }
0x3d: {  	_ =	shalt  }
0x3e: {  	_ =	shalt  }
0x3f: {  	_ =	shalt  }
0x40: {  	_ =	shalt  }
0x41: {  	_ =	shalt  }
0x42: {  	_ =	shalt  }
0x43: {  	_ =	shalt  }
0x44: {  	_ =	shalt  }
0x45: {  	_ =	shalt  }
0x46: {  	_ =	shalt  }
0x47: {  	_ =	shalt  }
0x48: {  	_ =	shalt  }
0x49: {  	_ =	shalt  }
0x4a: {  	_ =	shalt  }
0x4b: {  	_ =	shalt  }
0x4c: {  	_ =	shalt  }
0x4d: {  	_ =	shalt  }
0x4e: {  	_ =	shalt  }
0x4f: {  	_ =	shalt  }
0x50: {  	_ =	shalt  }
0x51: {  	_ =	shalt  }
0x52: {  	_ =	shalt  }
0x53: {  	_ =	shalt  }
0x54: {  	_ =	shalt  }
0x55: {  	_ =	shalt  }
0x56: {  	_ =	shalt  }
0x57: {  	_ =	shalt  }
0x58: {  	_ =	shalt  }
0x59: {  	_ =	shalt  }
0x5a: {  	_ =	shalt  }
0x5b: {  	_ =	shalt  }
0x5c: {  	_ =	shalt  }
0x5d: {  	_ =	shalt  }
0x5e: {  	_ =	shalt  }
0x5f: {  	_ =	shalt  }
0x60: {  	_ =	shalt  }
0x61: {  	_ =	shalt  }
0x62: {  	_ =	shalt  }
0x63: {  	_ =	shalt  }
0x64: {  	_ =	shalt  }
0x65: {  	_ =	shalt  }
0x66: {  	_ =	shalt  }
0x67: {  	_ =	shalt  }
0x68: {  	_ =	shalt  }
0x69: {  	_ =	shalt  }
0x6a: {  	_ =	shalt  }
0x6b: {  	_ =	shalt  }
0x6c: {  	_ =	shalt  }
0x6d: {  	_ =	shalt  }
0x6e: {  	_ =	shalt  }
0x6f: {  	_ =	shalt  }
0x70: {  	_ =	shalt  }
0x71: {  	_ =	shalt  }
0x72: {  	_ =	shalt  }
0x73: {  	_ =	shalt  }
0x74: {  	_ =	shalt  }
0x75: {  	_ =	shalt  }
0x76: {  	_ =	shalt  }
0x77: {  	_ =	shalt  }
0x78: {  	_ =	shalt  }
0x79: {  	_ =	shalt  }
0x7a: {  	_ =	shalt  }
0x7b: {  	_ =	shalt  }
0x7c: {  	_ =	shalt  }
0x7d: {  	_ =	shalt  }
0x7e: {  	_ =	shalt  }
0x7f: {  	_ =	shalt  }
0x80: {  	_ =	shalt  }
0x81: {  	_ =	shalt  }
0x82: {  	_ =	shalt  }
0x83: {  	_ =	shalt  }
0x84: {  	_ =	shalt  }
0x85: {  	_ =	shalt  }
0x86: {  	_ =	shalt  }
0x87: {  	_ =	shalt  }
.Lfunc_end0:
.L_simem_size_0:
called_computation_lowered:
.L_overlay_start_0:
0x88: {  	s2 =	sld [smem:$0x3FD9]  }
0x89: {  	s3 =	sld [smem:$0x3FFE];
	_ =	sdelay $0x1  }
0x8a: {  	s1 =	srdreg.scid  }
0x8b: {  	s0 =	sand.u32 $0x1, s1  }
0x8c: {  	s14 =	sshll.u32 s0, $0xA;
	s2 =	sadd.s32 s3, s2  }
0x8d: {  	s2 =	sadd.s32 s2, s14  }
0x8e: {  	[smem:$0x3FC7] =	sst s2  }
0x8f: {  	_ = 	snop  }
0x90: {  	s2 =	sld [smem:$0x3FD0];
	_ =	sdelay $0x2  }
0x91: {  	s4 =	simm.s32 $0xA;
	s5 =	simm.s32 $0x10;
	s15 =	sld [smem:$0x3FC9]  }
0x92: {  	[smem:s5], [sflag:s4] =	dma.local [hbm:s2], $0x1  }
0x93: {  	_ =	swait.eq [sflag:s4], $0x1  }
0x94: {  	[sflag:s4] =	ssyncset.done $0x0  }
0x95: {  	[sflag:s4] =	ssyncadd.s32 $0xFFFFFFFF  }
0x96: {  	s16 =	sld [smem:$0x10];
	(tm) =	ssettm $0x1  }
0x97: {  	s17 =	sld [smem:$0x3FFB];
	_ =	sdelay $0x3  }
0x98: {  	_ =	strace s17  }
0x99: {  	s4 =	sld [smem:$0x3FFC];
	_ =	sdelay $0x3  }
0x9a: {  	_ =	strace s4  }
0x9b: {  	s4 =	sld [smem:$0x3FFD];
	_ =	sdelay $0x3  }
0x9c: {  	_ =	strace s4  }
0x9d: {  	_ =	strace $0x8FFFFFFF  }
0x9e: {  	s18 =	sld [smem:$0x3FDB];
	_ =	sdelay $0x1  }
0x9f: {  	s19 =	simm.s32 $_scs_section_size  }
0xa0: {  	s6 =	simm.s32 $_size__tile_overlayer_lowered;
	s7 =	simm.s32 $_tile_overlayer_lowered  }
0xa1: {  	s22 =	simm.s32 $0x1BFF;
	s21 =	sshll.u32 s7, $0x1;
	s4 =	sadd.s32 s19, s18  }
0xa2: {  	s8 =	simm.s32 $0x0;
	s20 =	sshll.u32 s6, $0x1;
	s6 =	sadd.s32 s21, s4  }
0xa3: {  	[timem:s8], [sflag:s22] =	dma.local [hbm:s6], s20  }
0xa4: {  	_ =	swait.ge [sflag:s22], s20  }
0xa5: {  	s5 =	ssub.s32 $0x0, s20;
	[sflag:s22] =	ssyncset.done $0x0  }
0xa6: {  	[sflag:s22] =	ssyncadd.s32 s5;
	_ =	sdelay $0x1  }
0xa7: {  	s23 =	simm.s32 $0x1B8B  }
0xa8: {  	_ =	swait.ge [sflag:s23], $0x1  }
0xa9: {  	[sflag:s23] =	ssyncset.done $0x0  }
0xaa: {  	s25 =	simm.s32 $0x1B8E;
	s24 =	sld [smem:$0x3FFE];
	[sflag:s23] =	ssyncadd.s32 $0xFFFFFFFF  }
0xab: {  	s26 =	simm.s32 $execute0_lowered;
	[smem:$0x3FD2] =	sst s25  }
0xac: {  	s6 =	sshll.u32 s26, $0x1;
	_ =	strace $0x80000046;
	[dreg:$0x1] =	wrdreg $0xFFFFFFFF  }
0xad: {  	s28 =	simm.s32 $_size_execute0_lowered;
	s4 =	sadd.s32 s4, s6;
	[dreg:$0x0] =	wrdreg $0x0  }
0xae: {  	s6 =	sshll.u32 s28, $0x1;
	[dreg:$0x2] =	wrdreg s4  }
0xaf: {  	[dreg:$0x3] =	wrdreg s6  }
0xb0: {  	[dreg:$0x4] =	wrdreg $0xC0  }
0xb1: {  	_ =	task [dreg:s8], $0x5FFFF  }
0xb2: {  	[dreg:$0x1] =	wrdreg $0xFFFFFFFF  }
0xb3: {  	[dreg:$0x0] =	wrdreg $0x60  }
0xb4: {  	[dreg:$0x2] =	wrdreg s15  }
0xb5: {  	[dreg:$0x3] =	wrdreg s24  }
0xb6: {  	[dreg:$0x4] =	wrdreg s16  }
0xb7: {  	[dreg:$0x5] =	wrdreg $0x9  }
0xb8: {  	_ =	task.clear_ibuf [dreg:s8], $0x6FFFF;
	_ =	strace $0x90000046  }
0xb9: {  	s29 =	simm.s32 $0x9;
	_ =	strace $0x80000048  }
0xba: {  	_ =	swait.ge [sflag:s29], $0x1  }
0xbb: {  	[sflag:s29] =	ssyncadd.s32 $0xFFFFFFFF  }
0xbc: {  	_ =	strace $0x90000048  }
0xbd: {  	_ =	sfence  }
0xbe: {  	s30 =	sld [smem:$0x0];
	_ =	sdelay $0x2  }
0xbf: {  	s31 =	sshll.u32 s1, $0xD;
	s1 =	sshrl.u32 s1, $0x2  }
0xc0: {  	s3 =	sand.u32 $0x4000, s31;
	s1 =	sadd.s32 s1, s30  }
0xc1: {  	s0 =	sor.u32 s3, s0;
	s1 =	sshll.u32 s1, $0x11  }
0xc2: {  	s0 =	sor.u32 s1, s0  }
0xc3: {  	s0 =	sadd.s32 $0x8F2B, s0  }
0xc4: {  	[sflag:s0] =	ssyncadd.remote.s32 $0x1  }
0xc5: {  	_ =	sfence.sel $0xFFFF  }
0xc6: {  	[dreg:$0x0] =	wrdreg $0xFFFFFFFF;
	(pc) =	sbr.abs _section_cstart, $3  }
0xc7: {  	[dreg:$0x1] =	wrdreg $0xFFFFFFFF  }
0xc8: {  	_ =	task.clear_ibuf [dreg:s8], $0x2FFFF;
	_ =	strace $0x9FFFFFFF  }
0xc9: {  	(tm) =	ssettm $0x7FFFFFFF  }
tec
execute0_lowered:
.L_overlay_start_1:
0x0: {  	(tag) =	ssettag $0x1  }
0x1: {  	s1 =	rddreg [dreg:$0x0]  }
0x2: {  	s4 =	rddreg [dreg:$0x1]  }
0x3: {  	s7 =	rddreg [dreg:$0x2]  }
0x4: {  	s0 =	rddreg [dreg:$0x3];
	s5 =	srdreg.scid  }
0x5: {  	s3 =	simm.s32 $0x0;
	s2 =	stileid.u32;
	s11 =	simm.s32 $0x880  }
0x6: {  	s12 =	simm.s32 $0x1080;
	s13 =	simm.s32 $0x1880;
	s14 =	simm.s32 $0x2080  }
0x7: {  	s15 =	simm.s32 $0x2880;
	s16 =	simm.s32 $0x3080;
	s18 =	simm.s32 $0x4080  }
0x8: {  	s19 =	simm.s32 $0x4880;
	s20 =	simm.s32 $0x5080;
	s21 =	simm.s32 $0x5880  }
0x9: {  	s22 =	simm.s32 $0x1;
	s5 =	sand.u32 $0x1, s5;
	[smem:$0x7FF] =	sst s3  }
0xa: {  	s6 =	sshll.u32 s2, $0x3;
	s9 =	sshll.u32 s2, $0x9;
	s8 =	sshll.u32 s5, $0x2  }
0xb: {  	_ =	strace $0x80000047;
	s5 =	ssub.s32 $0x2, s5;
	s17 =	sand.u32 $0x1800, s9  }
0xc: {  	s9 =	simm.s32 $0x2;
	s6 =	sor.u32 s8, s6;
	s31 =	sshrl.u32 s5, $0x1  }
0xd: {  	v3 =	vlaneseq.u32;
	v0 =	vmov s17;
	s17 =	simm.s32 $0x3880;
	s10 =	smul.u32 $0x300, s6;
	s8 =	ssub.s32 s5, s31  }
0xe: {  	vm0 =	vmmov $0xffff;
	v2 =	vshrl.u32 v3, $0x3;
	s4 =	sadd.s32 s4, s6;
	s5 =	sadd.s32 $0x100, s1;
	s6 =	sadd.s32 $0x200, s1  }
0xf: {  	v1 =	vand.u32 $0x7, v3;
	v3 =	vor.u32 $0x8, v3;
	v2 =	vmul.u32 $0x8, v2;
	s8 =	smax.u32 s8, $0x1;
	s7 =	sadd.s32 s7, s10;
	s10 =	simm.s32 $0x80  }
.LBB2_1:
0x10: {  	[tilespmem:s3], [sflag:$0x2] =	stream.linear.gather [hbm4b:s4+s3], $0x20, $0x38;
	[tilespmem:$0x6080] =	vst v63  }
0x11: {  	_ =	swait.ge [sflag:s9], $0x20  }
0x12: {  	[sflag:s9] =	ssyncset.done $0x0  }
0x13: {  	[sflag:s9] =	ssyncadd.s32 $0xFFFFFFE0  }
0x14: {  	v4 =	vld [tilespmem:$0x0];
	_ =	sdelay $0x4  }
0x15: {  	v5 =	vadd.s32 v0, v4  }
0x16: {  	v6 =	vshrl.u32 v5, $0x3  }
0x17: {  	v6 =	vmul.u32 $0x30, v6  }
0x18: {  	v4 =	vand.u32 $0x7, v4  }
0x19: {  	v4 =	vor.u32 v4, v6  }
0x1a: {  	v63 =	vld [tilespmem:$0x10];
	v7 =	vperm.xlane v4, v1;
	_ =	sdelay $0x1  }
0x1b: {  	v7 =	vadd.s32 v2, v7;
	_ =	sdelay $0x2  }
0x1c: {  	[tilespmem:$0x0] =	vst v5;
	v5 =	vadd.s32 v0, v63  }
0x1d: {  	[tilespmem:$0x10] =	vst v5;
	v4 =	vperm.xlane v4, v3  }
0x1e: {  	[tilespmem:s10], [sflag:$0x1] =	stream.indirect_vreg.gather [hbm4b:s1+s3], $0x80, v7, vm0, $0xb8;
	[tilespmem:$0x6080] =	vst v63  }
0x1f: {  	v4 =	vadd.s32 v2, v4  }
0x20: {  	[tilespmem:s11], [sflag:$0x1] =	stream.indirect_vreg.gather [hbm4b:s5+s3], $0x80, v7, vm0, $0xb8;
	[tilespmem:$0x6080] =	vst v63  }
0x21: {  	_ = 	snop  }
0x22: {  	[tilespmem:s12], [sflag:$0x1] =	stream.indirect_vreg.gather [hbm4b:s6+s3], $0x80, v7, vm0, $0xb8;
	[tilespmem:$0x6080] =	vst v63  }
0x23: {  	_ = 	snop  }
0x24: {  	[tilespmem:s13], [sflag:$0x1] =	stream.indirect_vreg.gather [hbm4b:s1+s3], $0x80, v4, vm0, $0xb8;
	[tilespmem:$0x6080] =	vst v63  }
0x25: {  	_ = 	snop  }
0x26: {  	[tilespmem:s14], [sflag:$0x1] =	stream.indirect_vreg.gather [hbm4b:s5+s3], $0x80, v4, vm0, $0xb8;
	[tilespmem:$0x6080] =	vst v63  }
0x27: {  	_ = 	snop  }
0x28: {  	[tilespmem:s15], [sflag:$0x1] =	stream.indirect_vreg.gather [hbm4b:s6+s3], $0x80, v4, vm0, $0xb8;
	[tilespmem:$0x6080] =	vst v63  }
0x29: {  	v4 =	vld [tilespmem:$0x10];
	_ =	sdelay $0x4  }
0x2a: {  	v5 =	vshrl.u32 v4, $0x3  }
0x2b: {  	v5 =	vmul.u32 $0x30, v5  }
0x2c: {  	v4 =	vand.u32 $0x7, v4  }
0x2d: {  	v4 =	vor.u32 v4, v5  }
0x2e: {  	v5 =	vperm.xlane v4, v1;
	_ =	sdelay $0x1  }
0x2f: {  	v5 =	vadd.s32 v2, v5;
	_ =	sdelay $0x3  }
0x30: {  	v4 =	vperm.xlane v4, v3  }
0x31: {  	[tilespmem:s16], [sflag:$0x1] =	stream.indirect_vreg.gather [hbm4b:s1+s3], $0x80, v5, vm0, $0xb8;
	[tilespmem:$0x6080] =	vst v63  }
0x32: {  	v4 =	vadd.s32 v2, v4  }
0x33: {  	[tilespmem:s17], [sflag:$0x1] =	stream.indirect_vreg.gather [hbm4b:s5+s3], $0x80, v5, vm0, $0xb8;
	[tilespmem:$0x6080] =	vst v63  }
0x34: {  	_ = 	snop  }
0x35: {  	[tilespmem:s18], [sflag:$0x1] =	stream.indirect_vreg.gather [hbm4b:s6+s3], $0x80, v5, vm0, $0xb8;
	[tilespmem:$0x6080] =	vst v63  }
0x36: {  	_ = 	snop  }
0x37: {  	[tilespmem:s19], [sflag:$0x1] =	stream.indirect_vreg.gather [hbm4b:s1+s3], $0x80, v4, vm0, $0xb8;
	[tilespmem:$0x6080] =	vst v63  }
0x38: {  	_ = 	snop  }
0x39: {  	[tilespmem:s20], [sflag:$0x1] =	stream.indirect_vreg.gather [hbm4b:s5+s3], $0x80, v4, vm0, $0xb8;
	[tilespmem:$0x6080] =	vst v63  }
0x3a: {  	_ = 	snop  }
0x3b: {  	[tilespmem:s21], [sflag:$0x1] =	stream.indirect_vreg.gather [hbm4b:s6+s3], $0x80, v4, vm0, $0xb8;
	[tilespmem:$0x6080] =	vst v63  }
0x3c: {  	_ =	swait.ge [sflag:s22], $0x6000  }
0x3d: {  	p0 =	sne.s32 s8, $0x1;
	[sflag:s22] =	ssyncset.done $0x0  }
.Ltmp0:
0x3e: {  	[sflag:s22] =	ssyncadd.s32 $0xFFFFA000;
	(pc) =	sbr.rel @p0 .LBB2_1-.Ltmp0, $4  }
0x3f: {  	[hbm4b:s7+s3] =	stream.linear.scatter [tilespmem:s10], [sflag:$0x2], $0x6000, $0x38;
	[tilespmem:$0x6080] =	vst v63  }
0x40: {  	_ =	swait.ge [sflag:s9], $0x6000  }
0x41: {  	[sflag:s9] =	ssyncset.done $0x0  }
0x42: {  	s8 =	sadd.s32 $0xFFFFFFFF, s8;
	[sflag:s9] =	ssyncadd.s32 $0xFFFFA000  }
0x43: {  	_ =	sfence.sel $0x180000  }
0x44: {  	[bflag:$0x0] =	sbarrier.arrive $0xFFFF  }
0x45: {  	p0 =	sne.s32 s2, $0x0;
	_ =	strace $0x90000047  }
0x46: {  	s0 =	sadd.s32 @!p0 $0x100000, s0;
	[bflag:$0x2] =	sbarrier.arrive $0xFFFF  }
0x47: {  	[sflag:s0] =	ssyncadd.tile.s32 @!p0 $0x1;
	_ =	shalt  }
.Lfunc_end2:
_tile_overlayer_lowered:
.L_overlay_start_2:
0x48: {  	(tag) =	ssettag $0x2  }
0x49: {  	s0 =	rddreg [dreg:$0x0];
	s2 =	stileid.u32  }
0x4a: {  	s1 =	rddreg [dreg:$0x1];
	p0 =	sne.s32 s2, $0x0  }
0x4b: {  	s3 =	rddreg [dreg:$0x2];
	[bflag:$0x3] =	sbarrier.arrive $0xFFFF;
	s2 =	simm.s32 @!p0 $0x1C02  }
0x4c: {  	[timem:s3], [sflag:s2] =	dma.local @!p0 [hbm:s0], s1  }
0x4d: {  	s0 =	simm.s32 @!p0 $0x2  }
0x4e: {  	_ =	swait.ge @!p0 [sflag:s0], s1  }
0x4f: {  	s1 =	ssub.s32 @!p0 $0x0, s1;
	[sflag:s0] =	ssyncset.done @!p0 $0x0  }
0x50: {  	[sflag:s0] =	ssyncadd.s32 @!p0 s1  }
0x51: {  	[bflag:$0x3] =	sbarrier.arrive $0xFFFF  }
0x52: {  	_ =	shalt  }

</sc_bundles>
